<compile_context>
chip_gen: v7x
topology: tpu7x:2x2x1
jax: 0.10.2.dev20260603
libtpu: 0.0.44.dev20260713+nightly
codegen_flags: <defaults>
</compile_context>

<pallas_src>
import functools

import jax
import jax.numpy as jnp
from jax import lax
from jax.experimental import pallas as pl
from jax.experimental.pallas import tpu as pltpu
from jax.experimental.pallas import tpu_sc as plsc

_LANES = 16
_NCORES = 2
_NSUBCORES = 16
_NWORKERS = _NCORES * _NSUBCORES
_LUT_BITS = 12
_LUT_SIZE = 1 << _LUT_BITS
_SHIFT = 32 - _LUT_BITS
_CHUNK_ROWS = 8


def _build_luts(fp6_values):
  vals = fp6_values.astype(jnp.float32)
  mids = (vals[:-1] + vals[1:]) * jnp.float32(0.5)
  idx = jnp.arange(_LUT_SIZE, dtype=jnp.uint32)
  lo_bits = idx << _SHIFT
  hi_bits = lo_bits | jnp.uint32((1 << _SHIFT) - 1)
  f_lo = lax.bitcast_convert_type(lo_bits, jnp.float32)
  f_hi = lax.bitcast_convert_type(hi_bits, jnp.float32)
  neg = idx >= (_LUT_SIZE // 2)
  vmin = jnp.where(neg, f_hi, f_lo)
  vmax = jnp.where(neg, f_lo, f_hi)
  vmin = jnp.where(jnp.isnan(vmin), jnp.float32(jnp.inf), vmin)
  vmax = jnp.where(jnp.isnan(vmax), jnp.float32(jnp.inf), vmax)

  def lut(q):
    reach = jnp.concatenate(
        [jnp.ones((q.shape[0], 1), jnp.bool_), mids[None, :] < q[:, None]],
        axis=1)
    return jnp.max(jnp.where(reach, vals[None, :], -jnp.inf), axis=1)

  lut_lo, lut_hi = lut(vmin), lut(vmax)
  lo_u = lax.bitcast_convert_type(lut_lo.astype(jnp.bfloat16),
                                  jnp.uint16).astype(jnp.uint32)
  hi_u = lax.bitcast_convert_type(lut_hi.astype(jnp.bfloat16),
                                  jnp.uint16).astype(jnp.uint32)
  packed = lax.bitcast_convert_type((hi_u << 16) | lo_u, jnp.int32)
  return packed


@functools.partial(jax.jit, static_argnames=('rows', 'cols'))
def _sc_quantize(x2, lut_pk, rows, cols):
  rows_per_w = rows // _NWORKERS
  nchunks = rows_per_w // _CHUNK_ROWS
  nloops = nchunks // 2

  mesh = plsc.VectorSubcoreMesh(core_axis_name='c', subcore_axis_name='s')

  @functools.partial(
      pl.kernel,
      out_type=jax.ShapeDtypeStruct((rows, cols), jnp.float32),
      mesh=mesh,
      compiler_params=pltpu.CompilerParams(
          needs_layout_passes=False, use_tc_tiling_on_sc=True),
      scratch_types=[
          pltpu.VMEM((_LUT_SIZE,), jnp.int32),
          pltpu.VMEM((_CHUNK_ROWS, cols), jnp.float32),
          pltpu.VMEM((_CHUNK_ROWS, cols), jnp.float32),
          pltpu.VMEM((_CHUNK_ROWS, cols), jnp.float32),
          pltpu.VMEM((_CHUNK_ROWS, cols), jnp.float32),
          pltpu.SemaphoreType.DMA,
          pltpu.SemaphoreType.DMA,
          pltpu.SemaphoreType.DMA,
          pltpu.SemaphoreType.DMA,
      ],
  )
  def body(x_hbm, lutpk_hbm, out_hbm, lutpk_v,
           in0, in1, out0, out1, si0, si1, so0, so1):
    cid = lax.axis_index('c')
    sid = lax.axis_index('s')
    wid = sid * _NCORES + cid
    base = wid * rows_per_w

    pltpu.sync_copy(lutpk_hbm, lutpk_v)

    ins = (in0, in1)
    outs = (out0, out1)
    isems = (si0, si1)
    osems = (so0, so1)

    def start_in(g, b):
      pltpu.async_copy(
          x_hbm.at[pl.ds(base + g * _CHUNK_ROWS, _CHUNK_ROWS), :],
          ins[b], isems[b])

    def wait_in(g, b):
      pltpu.make_async_copy(
          x_hbm.at[pl.ds(base + g * _CHUNK_ROWS, _CHUNK_ROWS), :],
          ins[b], isems[b]).wait()

    def start_out(g, b):
      pltpu.async_copy(
          outs[b],
          out_hbm.at[pl.ds(base + g * _CHUNK_ROWS, _CHUNK_ROWS), :],
          osems[b])

    def wait_out(g, b):
      pltpu.make_async_copy(
          outs[b],
          out_hbm.at[pl.ds(base + g * _CHUNK_ROWS, _CHUNK_ROWS), :],
          osems[b]).wait()

    def compute(b):
      src = ins[b]
      dst = outs[b]

      @plsc.parallel_loop(0, cols, _LANES, unroll=1)
      def _(i):
        for r in range(_CHUNK_ROWS):
          xv = src[r, pl.ds(i, _LANES)]
          bits = plsc.bitcast(xv, jnp.int32)
          idx = lax.shift_right_logical(bits, jnp.int32(_SHIFT))
          xx = xv + xv
          w = plsc.load_gather(lutpk_v, [idx])
          lo = plsc.bitcast(lax.shift_left(w, jnp.int32(16)), jnp.float32)
          hi = plsc.bitcast(w & jnp.int32(-65536), jnp.float32)
          dst[r, pl.ds(i, _LANES)] = jnp.where(xx > lo + hi, hi, lo)

    start_in(0, 0)
    start_in(1, 1)

    def step(it, carry):
      for b in (0, 1):
        g = it * 2 + b

        wait_in(g, b)

        @pl.when(it > 0)
        def _(b=b, g=g):
          wait_out(g - 2, b)

        compute(b)
        start_out(g, b)

        @pl.when(it < nloops - 1)
        def _(b=b, g=g):
          start_in(g + 2, b)

      return carry

    lax.fori_loop(0, nloops, step, jnp.int32(0))
    wait_out(nchunks - 2, 0)
    wait_out(nchunks - 1, 1)

  return body(x2, lut_pk)


def kernel(x, fp6_values):
  lut_pk = _build_luts(fp6_values)
  cols = x.shape[-1]
  rows = x.size // cols
  assert rows % (_NWORKERS * _CHUNK_ROWS * 2) == 0 and cols % _LANES == 0
  out = _sc_quantize(x.reshape(rows, cols), lut_pk, rows, cols)
  return out.reshape(x.shape)

# --- scband reference (transcript-rebuilt; emitter-appended) ---
"""Pipeline reference for scband-learnable-fp6-activation-19267223289892 (READ-ONLY COPY).

The authoritative reference and input builder live on the scoring server;
editing this copy changes nothing except your own understanding.
"""

import jax, jax.numpy as jnp
import numpy as np

INIT_VALS = sorted(set([0.0, 0.0625, 0.125, 0.1875, 0.25, 0.3125, 0.375, 0.4375, 0.5, 0.625, 0.75, 0.875, 1.0, 1.25, 1.5, 1.75, 2.0, 2.5, 3.0, 3.5, 4.0, 5.0, 6.0, 7.0, 8.0, 10.0, 12.0, 14.0, 16.0, 20.0, 24.0, 28.0, -0.0625, -0.125, -0.1875, -0.25, -0.3125, -0.375, -0.4375, -0.5, -0.625, -0.75, -0.875, -1.0, -1.25, -1.5, -1.75, -2.0, -2.5, -3.0, -3.5, -4.0, -5.0, -6.0, -7.0, -8.0, -10.0, -12.0, -14.0, -16.0, -20.0, -24.0, -28.0, -32.0]))[:64]


def setup_inputs(seed: int = 0) -> dict:
    key = jax.random.key(seed)
    x = jax.random.normal(key, (2, 8192, 2048), dtype=jnp.float32) * 4.0
    fp6_values = jnp.asarray(INIT_VALS, dtype=jnp.float32)
    return {"x": x, "fp6_values": fp6_values}


def reference(x, fp6_values):
    # forward: sort learnable codebook, then nearest-value quantize via searchsorted
    vals = jnp.sort(fp6_values)
    idx = jnp.searchsorted(vals, x, side='left')
    idx = jnp.clip(idx, 1, vals.shape[0] - 1)
    high = vals[idx]
    low = vals[idx - 1]
    dist_high = jnp.abs(x - high)
    dist_low = jnp.abs(x - low)
    return jnp.where(dist_low <= dist_high, low, high)

if __name__ == "__main__":
    import jax
    _d = setup_inputs()
    print(jax.jit(kernel)(*tuple(_d.values())))

</pallas_src>

<mosaic_0001>
#map = affine_map<(d0, d1) -> (0, 0)>
#map1 = affine_map<(d0, d1) -> (0)>
module attributes {stable_mosaic.version = 14 : i64} {
  func.func @body(%arg0: i32, %arg1: i32, %arg2: memref<16384x2048xf32, #tpu.memory_space<hbm>>, %arg3: memref<4096xi32, #tpu.memory_space<hbm>>, %arg4: memref<16384x2048xf32, #tpu.memory_space<hbm>>, %arg5: memref<4096xi32, #tpu.memory_space<vmem>>, %arg6: memref<8x2048xf32, #tpu.memory_space<vmem>>, %arg7: memref<8x2048xf32, #tpu.memory_space<vmem>>, %arg8: memref<8x2048xf32, #tpu.memory_space<vmem>>, %arg9: memref<8x2048xf32, #tpu.memory_space<vmem>>, %arg10: memref<!tpu.dma_semaphore, #tpu.memory_space<semaphore_mem>>, %arg11: memref<!tpu.dma_semaphore, #tpu.memory_space<semaphore_mem>>, %arg12: memref<!tpu.dma_semaphore, #tpu.memory_space<semaphore_mem>>, %arg13: memref<!tpu.dma_semaphore, #tpu.memory_space<semaphore_mem>>) attributes {dimension_semantics = [#tpu.dimension_semantics<core_parallel>, #tpu.dimension_semantics<subcore_parallel>], iteration_bounds = array<i64: 2, 16>, scalar_prefetch = 0 : i64, scratch_operands = 9 : i64, tpu.core_type = #tpu.core_type<sc_vector_subcore>, window_params = [{transform_indices = #map}, {transform_indices = #map1}, {transform_indices = #map}]} {
    %mul3A = arith.constant 2 : i32
    %mul3A_0 = arith.muli %arg1, %mul3A : i32
    %add3A = arith.addi %mul3A_0, %arg0 : i32
    %mul3A_1 = arith.constant 512 : i32
    %mul3A_2 = arith.muli %add3A, %mul3A_1 : i32
    "tpu.region"() ({
      %run_scoped3A = tpu.sem_alloc : memref<!tpu.dma_semaphore, #tpu.memory_space<semaphore_mem>>
      tpu.enqueue_dma source(%arg3 : memref<4096xi32, #tpu.memory_space<hbm>>) target(%arg5 : memref<4096xi32, #tpu.memory_space<vmem>>) target_semaphore(%run_scoped3A : memref<!tpu.dma_semaphore, #tpu.memory_space<semaphore_mem>>)
      tpu.wait_dma2 semaphore(%run_scoped3A : memref<!tpu.dma_semaphore, #tpu.memory_space<semaphore_mem>>) src(%arg3 : memref<4096xi32, #tpu.memory_space<hbm>>) dst(%arg5 : memref<4096xi32, #tpu.memory_space<vmem>>)
      tpu.yield
    }) : () -> ()
    %add3A_3 = arith.constant 0 : i32
    %add3A_4 = arith.addi %mul3A_2, %add3A_3 : i32
    %dma_start3A = arith.constant 0 : i32
    %dma_start3A_5 = tpu.memref_slice %arg2[%add3A_4, %dma_start3A] : memref<16384x2048xf32, #tpu.memory_space<hbm>> -> memref<8x2048xf32, #tpu.memory_space<hbm>>
    %dma_start3A_6 = arith.constant 0 : i32
    %dma_start3A_7 = tpu.memref_slice %arg2[%add3A_4, %dma_start3A_6] : memref<16384x2048xf32, #tpu.memory_space<hbm>> -> memref<8x2048xf32, #tpu.memory_space<hbm>>
    tpu.enqueue_dma source(%dma_start3A_7 : memref<8x2048xf32, #tpu.memory_space<hbm>>) target(%arg6 : memref<8x2048xf32, #tpu.memory_space<vmem>>) target_semaphore(%arg10 : memref<!tpu.dma_semaphore, #tpu.memory_space<semaphore_mem>>)
    %add3A_8 = arith.constant 8 : i32
    %add3A_9 = arith.addi %mul3A_2, %add3A_8 : i32
    %dma_start3A_10 = arith.constant 0 : i32
    %dma_start3A_11 = tpu.memref_slice %arg2[%add3A_9, %dma_start3A_10] : memref<16384x2048xf32, #tpu.memory_space<hbm>> -> memref<8x2048xf32, #tpu.memory_space<hbm>>
    %dma_start3A_12 = arith.constant 0 : i32
    %dma_start3A_13 = tpu.memref_slice %arg2[%add3A_9, %dma_start3A_12] : memref<16384x2048xf32, #tpu.memory_space<hbm>> -> memref<8x2048xf32, #tpu.memory_space<hbm>>
    tpu.enqueue_dma source(%dma_start3A_13 : memref<8x2048xf32, #tpu.memory_space<hbm>>) target(%arg7 : memref<8x2048xf32, #tpu.memory_space<vmem>>) target_semaphore(%arg11 : memref<!tpu.dma_semaphore, #tpu.memory_space<semaphore_mem>>)
    %scan3A = arith.constant 0 : i32
    %scan3A_14 = arith.constant 0 : i32
    %scan3A_15 = arith.constant 32 : i32
    %scan3A_16 = arith.addi %scan3A_14, %scan3A_15 : i32
    %scan3A_17 = arith.constant 1 : i32
    scf.for %scan3A_30 = %scan3A_14 to %scan3A_16 step %scan3A_17  : i32 {
      %mul3A_31 = arith.constant 2 : i32
      %mul3A_32 = arith.muli %scan3A_30, %mul3A_31 : i32
      %add3A_33 = arith.constant 0 : i32
      %add3A_34 = arith.addi %mul3A_32, %add3A_33 : i32
      %mul3A_35 = arith.constant 8 : i32
      %mul3A_36 = arith.muli %add3A_34, %mul3A_35 : i32
      %add3A_37 = arith.addi %mul3A_2, %mul3A_36 : i32
      %dma_wait3A_38 = arith.constant 0 : i32
      %dma_wait3A_39 = tpu.memref_slice %arg2[%add3A_37, %dma_wait3A_38] : memref<16384x2048xf32, #tpu.memory_space<hbm>> -> memref<8x2048xf32, #tpu.memory_space<hbm>>
      %dma_wait3A_40 = arith.constant 0 : i32
      %dma_wait3A_41 = tpu.memref_slice %arg2[%add3A_37, %dma_wait3A_40] : memref<16384x2048xf32, #tpu.memory_space<hbm>> -> memref<8x2048xf32, #tpu.memory_space<hbm>>
      tpu.wait_dma2 semaphore(%arg10 : memref<!tpu.dma_semaphore, #tpu.memory_space<semaphore_mem>>) src(%dma_wait3A_41 : memref<8x2048xf32, #tpu.memory_space<hbm>>) dst(%arg6 : memref<8x2048xf32, #tpu.memory_space<vmem>>)
      %gt3A = arith.constant 0 : i32
      %gt3A_42 = arith.cmpi sgt, %scan3A_30, %gt3A : i32
      %convert_element_type3A = arith.extui %gt3A_42 : i1 to i32
      %cond3A = arith.constant 0 : i32
      %cond3A_43 = arith.cmpi ne, %convert_element_type3A, %cond3A : i32
      scf.if %cond3A_43 {
        %sub3A = arith.constant 2 : i32
        %sub3A_88 = arith.subi %add3A_34, %sub3A : i32
        %mul3A_89 = arith.constant 8 : i32
        %mul3A_90 = arith.muli %sub3A_88, %mul3A_89 : i32
        %add3A_91 = arith.addi %mul3A_2, %mul3A_90 : i32
        %dma_wait3A_92 = arith.constant 0 : i32
        %dma_wait3A_93 = tpu.memref_slice %arg4[%add3A_91, %dma_wait3A_92] : memref<16384x2048xf32, #tpu.memory_space<hbm>> -> memref<8x2048xf32, #tpu.memory_space<hbm>>
        %dma_wait3A_94 = arith.constant 0 : i32
        %dma_wait3A_95 = tpu.memref_slice %arg4[%add3A_91, %dma_wait3A_94] : memref<16384x2048xf32, #tpu.memory_space<hbm>> -> memref<8x2048xf32, #tpu.memory_space<hbm>>
        tpu.wait_dma2 semaphore(%arg12 : memref<!tpu.dma_semaphore, #tpu.memory_space<semaphore_mem>>) src(%arg8 : memref<8x2048xf32, #tpu.memory_space<vmem>>) dst(%dma_wait3A_95 : memref<8x2048xf32, #tpu.memory_space<hbm>>)
      } else {
      }
      %parallel_loop3A = arith.constant 0 : i32
      %parallel_loop3A_44 = arith.constant 2048 : i32
      %parallel_loop3A_45 = arith.constant 16 : i32
      scf.for %parallel_loop3A_88 = %parallel_loop3A to %parallel_loop3A_44 step %parallel_loop3A_45  : i32 {
        %parallel_loop3A_89 = arith.constant 0 : i32
        %parallel_loop3A_90 = arith.index_cast %parallel_loop3A_89 : i32 to index
        %parallel_loop3A_91 = arith.index_cast %parallel_loop3A_88 : i32 to index
        %parallel_loop3A_92 = tpu.vector_load %arg6[%parallel_loop3A_90, %parallel_loop3A_91] {strides = array<i32>} : memref<8x2048xf32, #tpu.memory_space<vmem>>, vector<16xf32>,
        %parallel_loop3A_93 = vector.bitcast %parallel_loop3A_92 : vector<16xf32> to vector<16xi32>
        %parallel_loop3A_94 = arith.constant 20 : i32
        %parallel_loop3A_95 = vector.broadcast %parallel_loop3A_94 : i32 to vector<16xi32>
        %parallel_loop3A_96 = arith.shrui %parallel_loop3A_93, %parallel_loop3A_95 : vector<16xi32>
        %parallel_loop3A_97 = arith.addf %parallel_loop3A_92, %parallel_loop3A_92 : vector<16xf32>
        %parallel_loop3A_98 = tpu.vector_load_idx %arg5[%parallel_loop3A_96] : memref<4096xi32, #tpu.memory_space<vmem>>[vector<16xi32>], vector<16xi32>,
        %parallel_loop3A_99 = arith.constant 16 : i32
        %parallel_loop3A_100 = vector.broadcast %parallel_loop3A_99 : i32 to vector<16xi32>
        %parallel_loop3A_101 = arith.shli %parallel_loop3A_98, %parallel_loop3A_100 : vector<16xi32>
        %parallel_loop3A_102 = vector.bitcast %parallel_loop3A_101 : vector<16xi32> to vector<16xf32>
        %parallel_loop3A_103 = arith.constant -65536 : i32
        %parallel_loop3A_104 = vector.broadcast %parallel_loop3A_103 : i32 to vector<16xi32>
        %parallel_loop3A_105 = arith.andi %parallel_loop3A_98, %parallel_loop3A_104 : vector<16xi32>
        %parallel_loop3A_106 = vector.bitcast %parallel_loop3A_105 : vector<16xi32> to vector<16xf32>
        %parallel_loop3A_107 = arith.addf %parallel_loop3A_102, %parallel_loop3A_106 : vector<16xf32>
        %parallel_loop3A_108 = arith.cmpf ogt, %parallel_loop3A_97, %parallel_loop3A_107 : vector<16xf32>
        %parallel_loop3A_109 = arith.select %parallel_loop3A_108, %parallel_loop3A_106, %parallel_loop3A_102 : vector<16xi1>, vector<16xf32>
        %parallel_loop3A_110 = arith.constant 0 : i32
        %parallel_loop3A_111 = arith.index_cast %parallel_loop3A_110 : i32 to index
        %parallel_loop3A_112 = arith.index_cast %parallel_loop3A_88 : i32 to index
        %parallel_loop3A_113 = tpu.vector_load %arg8[%parallel_loop3A_111, %parallel_loop3A_112] {strides = array<i32>} : memref<8x2048xf32, #tpu.memory_space<vmem>>, vector<16xf32>,
        tpu.vector_store %arg8[%parallel_loop3A_111, %parallel_loop3A_112], %parallel_loop3A_109 {strides = array<i32>} : memref<8x2048xf32, #tpu.memory_space<vmem>>, vector<16xf32>,
        %parallel_loop3A_114 = arith.constant 1 : i32
        %parallel_loop3A_115 = arith.index_cast %parallel_loop3A_114 : i32 to index
        %parallel_loop3A_116 = arith.index_cast %parallel_loop3A_88 : i32 to index
        %parallel_loop3A_117 = tpu.vector_load %arg6[%parallel_loop3A_115, %parallel_loop3A_116] {strides = array<i32>} : memref<8x2048xf32, #tpu.memory_space<vmem>>, vector<16xf32>,
        %parallel_loop3A_118 = vector.bitcast %parallel_loop3A_117 : vector<16xf32> to vector<16xi32>
        %parallel_loop3A_119 = arith.constant 20 : i32
        %parallel_loop3A_120 = vector.broadcast %parallel_loop3A_119 : i32 to vector<16xi32>
        %parallel_loop3A_121 = arith.shrui %parallel_loop3A_118, %parallel_loop3A_120 : vector<16xi32>
        %parallel_loop3A_122 = arith.addf %parallel_loop3A_117, %parallel_loop3A_117 : vector<16xf32>
        %parallel_loop3A_123 = tpu.vector_load_idx %arg5[%parallel_loop3A_121] : memref<4096xi32, #tpu.memory_space<vmem>>[vector<16xi32>], vector<16xi32>,
        %parallel_loop3A_124 = arith.constant 16 : i32
        %parallel_loop3A_125 = vector.broadcast %parallel_loop3A_124 : i32 to vector<16xi32>
        %parallel_loop3A_126 = arith.shli %parallel_loop3A_123, %parallel_loop3A_125 : vector<16xi32>
        %parallel_loop3A_127 = vector.bitcast %parallel_loop3A_126 : vector<16xi32> to vector<16xf32>
        %parallel_loop3A_128 = arith.constant -65536 : i32
        %parallel_loop3A_129 = vector.broadcast %parallel_loop3A_128 : i32 to vector<16xi32>
        %parallel_loop3A_130 = arith.andi %parallel_loop3A_123, %parallel_loop3A_129 : vector<16xi32>
        %parallel_loop3A_131 = vector.bitcast %parallel_loop3A_130 : vector<16xi32> to vector<16xf32>
        %parallel_loop3A_132 = arith.addf %parallel_loop3A_127, %parallel_loop3A_131 : vector<16xf32>
        %parallel_loop3A_133 = arith.cmpf ogt, %parallel_loop3A_122, %parallel_loop3A_132 : vector<16xf32>
        %parallel_loop3A_134 = arith.select %parallel_loop3A_133, %parallel_loop3A_131, %parallel_loop3A_127 : vector<16xi1>, vector<16xf32>
        %parallel_loop3A_135 = arith.constant 1 : i32
        %parallel_loop3A_136 = arith.index_cast %parallel_loop3A_135 : i32 to index
        %parallel_loop3A_137 = arith.index_cast %parallel_loop3A_88 : i32 to index
        %parallel_loop3A_138 = tpu.vector_load %arg8[%parallel_loop3A_136, %parallel_loop3A_137] {strides = array<i32>} : memref<8x2048xf32, #tpu.memory_space<vmem>>, vector<16xf32>,
        tpu.vector_store %arg8[%parallel_loop3A_136, %parallel_loop3A_137], %parallel_loop3A_134 {strides = array<i32>} : memref<8x2048xf32, #tpu.memory_space<vmem>>, vector<16xf32>,
        %parallel_loop3A_139 = arith.constant 2 : i32
        %parallel_loop3A_140 = arith.index_cast %parallel_loop3A_139 : i32 to index
        %parallel_loop3A_141 = arith.index_cast %parallel_loop3A_88 : i32 to index
        %parallel_loop3A_142 = tpu.vector_load %arg6[%parallel_loop3A_140, %parallel_loop3A_141] {strides = array<i32>} : memref<8x2048xf32, #tpu.memory_space<vmem>>, vector<16xf32>,
        %parallel_loop3A_143 = vector.bitcast %parallel_loop3A_142 : vector<16xf32> to vector<16xi32>
        %parallel_loop3A_144 = arith.constant 20 : i32
        %parallel_loop3A_145 = vector.broadcast %parallel_loop3A_144 : i32 to vector<16xi32>
        %parallel_loop3A_146 = arith.shrui %parallel_loop3A_143, %parallel_loop3A_145 : vector<16xi32>
        %parallel_loop3A_147 = arith.addf %parallel_loop3A_142, %parallel_loop3A_142 : vector<16xf32>
        %parallel_loop3A_148 = tpu.vector_load_idx %arg5[%parallel_loop3A_146] : memref<4096xi32, #tpu.memory_space<vmem>>[vector<16xi32>], vector<16xi32>,
        %parallel_loop3A_149 = arith.constant 16 : i32
        %parallel_loop3A_150 = vector.broadcast %parallel_loop3A_149 : i32 to vector<16xi32>
        %parallel_loop3A_151 = arith.shli %parallel_loop3A_148, %parallel_loop3A_150 : vector<16xi32>
        %parallel_loop3A_152 = vector.bitcast %parallel_loop3A_151 : vector<16xi32> to vector<16xf32>
        %parallel_loop3A_153 = arith.constant -65536 : i32
        %parallel_loop3A_154 = vector.broadcast %parallel_loop3A_153 : i32 to vector<16xi32>
        %parallel_loop3A_155 = arith.andi %parallel_loop3A_148, %parallel_loop3A_154 : vector<16xi32>
        %parallel_loop3A_156 = vector.bitcast %parallel_loop3A_155 : vector<16xi32> to vector<16xf32>
        %parallel_loop3A_157 = arith.addf %parallel_loop3A_152, %parallel_loop3A_156 : vector<16xf32>
        %parallel_loop3A_158 = arith.cmpf ogt, %parallel_loop3A_147, %parallel_loop3A_157 : vector<16xf32>
        %parallel_loop3A_159 = arith.select %parallel_loop3A_158, %parallel_loop3A_156, %parallel_loop3A_152 : vector<16xi1>, vector<16xf32>
        %parallel_loop3A_160 = arith.constant 2 : i32
        %parallel_loop3A_161 = arith.index_cast %parallel_loop3A_160 : i32 to index
        %parallel_loop3A_162 = arith.index_cast %parallel_loop3A_88 : i32 to index
        %parallel_loop3A_163 = tpu.vector_load %arg8[%parallel_loop3A_161, %parallel_loop3A_162] {strides = array<i32>} : memref<8x2048xf32, #tpu.memory_space<vmem>>, vector<16xf32>,
        tpu.vector_store %arg8[%parallel_loop3A_161, %parallel_loop3A_162], %parallel_loop3A_159 {strides = array<i32>} : memref<8x2048xf32, #tpu.memory_space<vmem>>, vector<16xf32>,
        %parallel_loop3A_164 = arith.constant 3 : i32
        %parallel_loop3A_165 = arith.index_cast %parallel_loop3A_164 : i32 to index
        %parallel_loop3A_166 = arith.index_cast %parallel_loop3A_88 : i32 to index
        %parallel_loop3A_167 = tpu.vector_load %arg6[%parallel_loop3A_165, %parallel_loop3A_166] {strides = array<i32>} : memref<8x2048xf32, #tpu.memory_space<vmem>>, vector<16xf32>,
        %parallel_loop3A_168 = vector.bitcast %parallel_loop3A_167 : vector<16xf32> to vector<16xi32>
        %parallel_loop3A_169 = arith.constant 20 : i32
        %parallel_loop3A_170 = vector.broadcast %parallel_loop3A_169 : i32 to vector<16xi32>
        %parallel_loop3A_171 = arith.shrui %parallel_loop3A_168, %parallel_loop3A_170 : vector<16xi32>
        %parallel_loop3A_172 = arith.addf %parallel_loop3A_167, %parallel_loop3A_167 : vector<16xf32>
        %parallel_loop3A_173 = tpu.vector_load_idx %arg5[%parallel_loop3A_171] : memref<4096xi32, #tpu.memory_space<vmem>>[vector<16xi32>], vector<16xi32>,
        %parallel_loop3A_174 = arith.constant 16 : i32
        %parallel_loop3A_175 = vector.broadcast %parallel_loop3A_174 : i32 to vector<16xi32>
        %parallel_loop3A_176 = arith.shli %parallel_loop3A_173, %parallel_loop3A_175 : vector<16xi32>
        %parallel_loop3A_177 = vector.bitcast %parallel_loop3A_176 : vector<16xi32> to vector<16xf32>
        %parallel_loop3A_178 = arith.constant -65536 : i32
        %parallel_loop3A_179 = vector.broadcast %parallel_loop3A_178 : i32 to vector<16xi32>
        %parallel_loop3A_180 = arith.andi %parallel_loop3A_173, %parallel_loop3A_179 : vector<16xi32>
        %parallel_loop3A_181 = vector.bitcast %parallel_loop3A_180 : vector<16xi32> to vector<16xf32>
        %parallel_loop3A_182 = arith.addf %parallel_loop3A_177, %parallel_loop3A_181 : vector<16xf32>
        %parallel_loop3A_183 = arith.cmpf ogt, %parallel_loop3A_172, %parallel_loop3A_182 : vector<16xf32>
        %parallel_loop3A_184 = arith.select %parallel_loop3A_183, %parallel_loop3A_181, %parallel_loop3A_177 : vector<16xi1>, vector<16xf32>
        %parallel_loop3A_185 = arith.constant 3 : i32
        %parallel_loop3A_186 = arith.index_cast %parallel_loop3A_185 : i32 to index
        %parallel_loop3A_187 = arith.index_cast %parallel_loop3A_88 : i32 to index
        %parallel_loop3A_188 = tpu.vector_load %arg8[%parallel_loop3A_186, %parallel_loop3A_187] {strides = array<i32>} : memref<8x2048xf32, #tpu.memory_space<vmem>>, vector<16xf32>,
        tpu.vector_store %arg8[%parallel_loop3A_186, %parallel_loop3A_187], %parallel_loop3A_184 {strides = array<i32>} : memref<8x2048xf32, #tpu.memory_space<vmem>>, vector<16xf32>,
        %parallel_loop3A_189 = arith.constant 4 : i32
        %parallel_loop3A_190 = arith.index_cast %parallel_loop3A_189 : i32 to index
        %parallel_loop3A_191 = arith.index_cast %parallel_loop3A_88 : i32 to index
        %parallel_loop3A_192 = tpu.vector_load %arg6[%parallel_loop3A_190, %parallel_loop3A_191] {strides = array<i32>} : memref<8x2048xf32, #tpu.memory_space<vmem>>, vector<16xf32>,
        %parallel_loop3A_193 = vector.bitcast %parallel_loop3A_192 : vector<16xf32> to vector<16xi32>
        %parallel_loop3A_194 = arith.constant 20 : i32
        %parallel_loop3A_195 = vector.broadcast %parallel_loop3A_194 : i32 to vector<16xi32>
        %parallel_loop3A_196 = arith.shrui %parallel_loop3A_193, %parallel_loop3A_195 : vector<16xi32>
        %parallel_loop3A_197 = arith.addf %parallel_loop3A_192, %parallel_loop3A_192 : vector<16xf32>
        %parallel_loop3A_198 = tpu.vector_load_idx %arg5[%parallel_loop3A_196] : memref<4096xi32, #tpu.memory_space<vmem>>[vector<16xi32>], vector<16xi32>,
        %parallel_loop3A_199 = arith.constant 16 : i32
        %parallel_loop3A_200 = vector.broadcast %parallel_loop3A_199 : i32 to vector<16xi32>
        %parallel_loop3A_201 = arith.shli %parallel_loop3A_198, %parallel_loop3A_200 : vector<16xi32>
        %parallel_loop3A_202 = vector.bitcast %parallel_loop3A_201 : vector<16xi32> to vector<16xf32>
        %parallel_loop3A_203 = arith.constant -65536 : i32
        %parallel_loop3A_204 = vector.broadcast %parallel_loop3A_203 : i32 to vector<16xi32>
        %parallel_loop3A_205 = arith.andi %parallel_loop3A_198, %parallel_loop3A_204 : vector<16xi32>
        %parallel_loop3A_206 = vector.bitcast %parallel_loop3A_205 : vector<16xi32> to vector<16xf32>
        %parallel_loop3A_207 = arith.addf %parallel_loop3A_202, %parallel_loop3A_206 : vector<16xf32>
        %parallel_loop3A_208 = arith.cmpf ogt, %parallel_loop3A_197, %parallel_loop3A_207 : vector<16xf32>
        %parallel_loop3A_209 = arith.select %parallel_loop3A_208, %parallel_loop3A_206, %parallel_loop3A_202 : vector<16xi1>, vector<16xf32>
        %parallel_loop3A_210 = arith.constant 4 : i32
        %parallel_loop3A_211 = arith.index_cast %parallel_loop3A_210 : i32 to index
        %parallel_loop3A_212 = arith.index_cast %parallel_loop3A_88 : i32 to index
        %parallel_loop3A_213 = tpu.vector_load %arg8[%parallel_loop3A_211, %parallel_loop3A_212] {strides = array<i32>} : memref<8x2048xf32, #tpu.memory_space<vmem>>, vector<16xf32>,
        tpu.vector_store %arg8[%parallel_loop3A_211, %parallel_loop3A_212], %parallel_loop3A_209 {strides = array<i32>} : memref<8x2048xf32, #tpu.memory_space<vmem>>, vector<16xf32>,
        %parallel_loop3A_214 = arith.constant 5 : i32
        %parallel_loop3A_215 = arith.index_cast %parallel_loop3A_214 : i32 to index
        %parallel_loop3A_216 = arith.index_cast %parallel_loop3A_88 : i32 to index
        %parallel_loop3A_217 = tpu.vector_load %arg6[%parallel_loop3A_215, %parallel_loop3A_216] {strides = array<i32>} : memref<8x2048xf32, #tpu.memory_space<vmem>>, vector<16xf32>,
        %parallel_loop3A_218 = vector.bitcast %parallel_loop3A_217 : vector<16xf32> to vector<16xi32>
        %parallel_loop3A_219 = arith.constant 20 : i32
        %parallel_loop3A_220 = vector.broadcast %parallel_loop3A_219 : i32 to vector<16xi32>
        %parallel_loop3A_221 = arith.shrui %parallel_loop3A_218, %parallel_loop3A_220 : vector<16xi32>
        %parallel_loop3A_222 = arith.addf %parallel_loop3A_217, %parallel_loop3A_217 : vector<16xf32>
        %parallel_loop3A_223 = tpu.vector_load_idx %arg5[%parallel_loop3A_221] : memref<4096xi32, #tpu.memory_space<vmem>>[vector<16xi32>], vector<16xi32>,
        %parallel_loop3A_224 = arith.constant 16 : i32
        %parallel_loop3A_225 = vector.broadcast %parallel_loop3A_224 : i32 to vector<16xi32>
        %parallel_loop3A_226 = arith.shli %parallel_loop3A_223, %parallel_loop3A_225 : vector<16xi32>
        %parallel_loop3A_227 = vector.bitcast %parallel_loop3A_226 : vector<16xi32> to vector<16xf32>
        %parallel_loop3A_228 = arith.constant -65536 : i32
        %parallel_loop3A_229 = vector.broadcast %parallel_loop3A_228 : i32 to vector<16xi32>
        %parallel_loop3A_230 = arith.andi %parallel_loop3A_223, %parallel_loop3A_229 : vector<16xi32>
        %parallel_loop3A_231 = vector.bitcast %parallel_loop3A_230 : vector<16xi32> to vector<16xf32>
        %parallel_loop3A_232 = arith.addf %parallel_loop3A_227, %parallel_loop3A_231 : vector<16xf32>
        %parallel_loop3A_233 = arith.cmpf ogt, %parallel_loop3A_222, %parallel_loop3A_232 : vector<16xf32>
        %parallel_loop3A_234 = arith.select %parallel_loop3A_233, %parallel_loop3A_231, %parallel_loop3A_227 : vector<16xi1>, vector<16xf32>
        %parallel_loop3A_235 = arith.constant 5 : i32
        %parallel_loop3A_236 = arith.index_cast %parallel_loop3A_235 : i32 to index
        %parallel_loop3A_237 = arith.index_cast %parallel_loop3A_88 : i32 to index
        %parallel_loop3A_238 = tpu.vector_load %arg8[%parallel_loop3A_236, %parallel_loop3A_237] {strides = array<i32>} : memref<8x2048xf32, #tpu.memory_space<vmem>>, vector<16xf32>,
        tpu.vector_store %arg8[%parallel_loop3A_236, %parallel_loop3A_237], %parallel_loop3A_234 {strides = array<i32>} : memref<8x2048xf32, #tpu.memory_space<vmem>>, vector<16xf32>,
        %parallel_loop3A_239 = arith.constant 6 : i32
        %parallel_loop3A_240 = arith.index_cast %parallel_loop3A_239 : i32 to index
        %parallel_loop3A_241 = arith.index_cast %parallel_loop3A_88 : i32 to index
        %parallel_loop3A_242 = tpu.vector_load %arg6[%parallel_loop3A_240, %parallel_loop3A_241] {strides = array<i32>} : memref<8x2048xf32, #tpu.memory_space<vmem>>, vector<16xf32>,
        %parallel_loop3A_243 = vector.bitcast %parallel_loop3A_242 : vector<16xf32> to vector<16xi32>
        %parallel_loop3A_244 = arith.constant 20 : i32
        %parallel_loop3A_245 = vector.broadcast %parallel_loop3A_244 : i32 to vector<16xi32>
        %parallel_loop3A_246 = arith.shrui %parallel_loop3A_243, %parallel_loop3A_245 : vector<16xi32>
        %parallel_loop3A_247 = arith.addf %parallel_loop3A_242, %parallel_loop3A_242 : vector<16xf32>
        %parallel_loop3A_248 = tpu.vector_load_idx %arg5[%parallel_loop3A_246] : memref<4096xi32, #tpu.memory_space<vmem>>[vector<16xi32>], vector<16xi32>,
        %parallel_loop3A_249 = arith.constant 16 : i32
        %parallel_loop3A_250 = vector.broadcast %parallel_loop3A_249 : i32 to vector<16xi32>
        %parallel_loop3A_251 = arith.shli %parallel_loop3A_248, %parallel_loop3A_250 : vector<16xi32>
        %parallel_loop3A_252 = vector.bitcast %parallel_loop3A_251 : vector<16xi32> to vector<16xf32>
        %parallel_loop3A_253 = arith.constant -65536 : i32
        %parallel_loop3A_254 = vector.broadcast %parallel_loop3A_253 : i32 to vector<16xi32>
        %parallel_loop3A_255 = arith.andi %parallel_loop3A_248, %parallel_loop3A_254 : vector<16xi32>
        %parallel_loop3A_256 = vector.bitcast %parallel_loop3A_255 : vector<16xi32> to vector<16xf32>
        %parallel_loop3A_257 = arith.addf %parallel_loop3A_252, %parallel_loop3A_256 : vector<16xf32>
        %parallel_loop3A_258 = arith.cmpf ogt, %parallel_loop3A_247, %parallel_loop3A_257 : vector<16xf32>
        %parallel_loop3A_259 = arith.select %parallel_loop3A_258, %parallel_loop3A_256, %parallel_loop3A_252 : vector<16xi1>, vector<16xf32>
        %parallel_loop3A_260 = arith.constant 6 : i32
        %parallel_loop3A_261 = arith.index_cast %parallel_loop3A_260 : i32 to index
        %parallel_loop3A_262 = arith.index_cast %parallel_loop3A_88 : i32 to index
        %parallel_loop3A_263 = tpu.vector_load %arg8[%parallel_loop3A_261, %parallel_loop3A_262] {strides = array<i32>} : memref<8x2048xf32, #tpu.memory_space<vmem>>, vector<16xf32>,
        tpu.vector_store %arg8[%parallel_loop3A_261, %parallel_loop3A_262], %parallel_loop3A_259 {strides = array<i32>} : memref<8x2048xf32, #tpu.memory_space<vmem>>, vector<16xf32>,
        %parallel_loop3A_264 = arith.constant 7 : i32
        %parallel_loop3A_265 = arith.index_cast %parallel_loop3A_264 : i32 to index
        %parallel_loop3A_266 = arith.index_cast %parallel_loop3A_88 : i32 to index
        %parallel_loop3A_267 = tpu.vector_load %arg6[%parallel_loop3A_265, %parallel_loop3A_266] {strides = array<i32>} : memref<8x2048xf32, #tpu.memory_space<vmem>>, vector<16xf32>,
        %parallel_loop3A_268 = vector.bitcast %parallel_loop3A_267 : vector<16xf32> to vector<16xi32>
        %parallel_loop3A_269 = arith.constant 20 : i32
        %parallel_loop3A_270 = vector.broadcast %parallel_loop3A_269 : i32 to vector<16xi32>
        %parallel_loop3A_271 = arith.shrui %parallel_loop3A_268, %parallel_loop3A_270 : vector<16xi32>
        %parallel_loop3A_272 = arith.addf %parallel_loop3A_267, %parallel_loop3A_267 : vector<16xf32>
        %parallel_loop3A_273 = tpu.vector_load_idx %arg5[%parallel_loop3A_271] : memref<4096xi32, #tpu.memory_space<vmem>>[vector<16xi32>], vector<16xi32>,
        %parallel_loop3A_274 = arith.constant 16 : i32
        %parallel_loop3A_275 = vector.broadcast %parallel_loop3A_274 : i32 to vector<16xi32>
        %parallel_loop3A_276 = arith.shli %parallel_loop3A_273, %parallel_loop3A_275 : vector<16xi32>
        %parallel_loop3A_277 = vector.bitcast %parallel_loop3A_276 : vector<16xi32> to vector<16xf32>
        %parallel_loop3A_278 = arith.constant -65536 : i32
        %parallel_loop3A_279 = vector.broadcast %parallel_loop3A_278 : i32 to vector<16xi32>
        %parallel_loop3A_280 = arith.andi %parallel_loop3A_273, %parallel_loop3A_279 : vector<16xi32>
        %parallel_loop3A_281 = vector.bitcast %parallel_loop3A_280 : vector<16xi32> to vector<16xf32>
        %parallel_loop3A_282 = arith.addf %parallel_loop3A_277, %parallel_loop3A_281 : vector<16xf32>
        %parallel_loop3A_283 = arith.cmpf ogt, %parallel_loop3A_272, %parallel_loop3A_282 : vector<16xf32>
        %parallel_loop3A_284 = arith.select %parallel_loop3A_283, %parallel_loop3A_281, %parallel_loop3A_277 : vector<16xi1>, vector<16xf32>
        %parallel_loop3A_285 = arith.constant 7 : i32
        %parallel_loop3A_286 = arith.index_cast %parallel_loop3A_285 : i32 to index
        %parallel_loop3A_287 = arith.index_cast %parallel_loop3A_88 : i32 to index
        %parallel_loop3A_288 = tpu.vector_load %arg8[%parallel_loop3A_286, %parallel_loop3A_287] {strides = array<i32>} : memref<8x2048xf32, #tpu.memory_space<vmem>>, vector<16xf32>,
        tpu.vector_store %arg8[%parallel_loop3A_286, %parallel_loop3A_287], %parallel_loop3A_284 {strides = array<i32>} : memref<8x2048xf32, #tpu.memory_space<vmem>>, vector<16xf32>,
      } {sc.loop_unroll_factor = 1 : i64, sc.parallel_access}
      %mul3A_46 = arith.constant 8 : i32
      %mul3A_47 = arith.muli %add3A_34, %mul3A_46 : i32
      %add3A_48 = arith.addi %mul3A_2, %mul3A_47 : i32
      %dma_start3A_49 = arith.constant 0 : i32
      %dma_start3A_50 = tpu.memref_slice %arg4[%add3A_48, %dma_start3A_49] : memref<16384x2048xf32, #tpu.memory_space<hbm>> -> memref<8x2048xf32, #tpu.memory_space<hbm>>
      %dma_start3A_51 = arith.constant 0 : i32
      %dma_start3A_52 = tpu.memref_slice %arg4[%add3A_48, %dma_start3A_51] : memref<16384x2048xf32, #tpu.memory_space<hbm>> -> memref<8x2048xf32, #tpu.memory_space<hbm>>
      tpu.enqueue_dma source(%arg8 : memref<8x2048xf32, #tpu.memory_space<vmem>>) target(%dma_start3A_52 : memref<8x2048xf32, #tpu.memory_space<hbm>>) target_semaphore(%arg12 : memref<!tpu.dma_semaphore, #tpu.memory_space<semaphore_mem>>)
      %lt3A = arith.constant 31 : i32
      %lt3A_53 = arith.cmpi slt, %scan3A_30, %lt3A : i32
      %convert_element_type3A_54 = arith.extui %lt3A_53 : i1 to i32
      %cond3A_55 = arith.constant 0 : i32
      %cond3A_56 = arith.cmpi ne, %convert_element_type3A_54, %cond3A_55 : i32
      scf.if %cond3A_56 {
        %add3A_88 = arith.constant 2 : i32
        %add3A_89 = arith.addi %add3A_34, %add3A_88 : i32
        %mul3A_90 = arith.constant 8 : i32
        %mul3A_91 = arith.muli %add3A_89, %mul3A_90 : i32
        %add3A_92 = arith.addi %mul3A_2, %mul3A_91 : i32
        %dma_start3A_93 = arith.constant 0 : i32
        %dma_start3A_94 = tpu.memref_slice %arg2[%add3A_92, %dma_start3A_93] : memref<16384x2048xf32, #tpu.memory_space<hbm>> -> memref<8x2048xf32, #tpu.memory_space<hbm>>
        %dma_start3A_95 = arith.constant 0 : i32
        %dma_start3A_96 = tpu.memref_slice %arg2[%add3A_92, %dma_start3A_95] : memref<16384x2048xf32, #tpu.memory_space<hbm>> -> memref<8x2048xf32, #tpu.memory_space<hbm>>
        tpu.enqueue_dma source(%dma_start3A_96 : memref<8x2048xf32, #tpu.memory_space<hbm>>) target(%arg6 : memref<8x2048xf32, #tpu.memory_space<vmem>>) target_semaphore(%arg10 : memref<!tpu.dma_semaphore, #tpu.memory_space<semaphore_mem>>)
      } else {
      }
      %mul3A_57 = arith.constant 2 : i32
      %mul3A_58 = arith.muli %scan3A_30, %mul3A_57 : i32
      %add3A_59 = arith.constant 1 : i32
      %add3A_60 = arith.addi %mul3A_58, %add3A_59 : i32
      %mul3A_61 = arith.constant 8 : i32
      %mul3A_62 = arith.muli %add3A_60, %mul3A_61 : i32
      %add3A_63 = arith.addi %mul3A_2, %mul3A_62 : i32
      %dma_wait3A_64 = arith.constant 0 : i32
      %dma_wait3A_65 = tpu.memref_slice %arg2[%add3A_63, %dma_wait3A_64] : memref<16384x2048xf32, #tpu.memory_space<hbm>> -> memref<8x2048xf32, #tpu.memory_space<hbm>>
      %dma_wait3A_66 = arith.constant 0 : i32
      %dma_wait3A_67 = tpu.memref_slice %arg2[%add3A_63, %dma_wait3A_66] : memref<16384x2048xf32, #tpu.memory_space<hbm>> -> memref<8x2048xf32, #tpu.memory_space<hbm>>
      tpu.wait_dma2 semaphore(%arg11 : memref<!tpu.dma_semaphore, #tpu.memory_space<semaphore_mem>>) src(%dma_wait3A_67 : memref<8x2048xf32, #tpu.memory_space<hbm>>) dst(%arg7 : memref<8x2048xf32, #tpu.memory_space<vmem>>)
      %gt3A_68 = arith.constant 0 : i32
      %gt3A_69 = arith.cmpi sgt, %scan3A_30, %gt3A_68 : i32
      %convert_element_type3A_70 = arith.extui %gt3A_69 : i1 to i32
      %cond3A_71 = arith.constant 0 : i32
      %cond3A_72 = arith.cmpi ne, %convert_element_type3A_70, %cond3A_71 : i32
      scf.if %cond3A_72 {
        %sub3A = arith.constant 2 : i32
        %sub3A_88 = arith.subi %add3A_60, %sub3A : i32
        %mul3A_89 = arith.constant 8 : i32
        %mul3A_90 = arith.muli %sub3A_88, %mul3A_89 : i32
        %add3A_91 = arith.addi %mul3A_2, %mul3A_90 : i32
        %dma_wait3A_92 = arith.constant 0 : i32
        %dma_wait3A_93 = tpu.memref_slice %arg4[%add3A_91, %dma_wait3A_92] : memref<16384x2048xf32, #tpu.memory_space<hbm>> -> memref<8x2048xf32, #tpu.memory_space<hbm>>
        %dma_wait3A_94 = arith.constant 0 : i32
        %dma_wait3A_95 = tpu.memref_slice %arg4[%add3A_91, %dma_wait3A_94] : memref<16384x2048xf32, #tpu.memory_space<hbm>> -> memref<8x2048xf32, #tpu.memory_space<hbm>>
        tpu.wait_dma2 semaphore(%arg13 : memref<!tpu.dma_semaphore, #tpu.memory_space<semaphore_mem>>) src(%arg9 : memref<8x2048xf32, #tpu.memory_space<vmem>>) dst(%dma_wait3A_95 : memref<8x2048xf32, #tpu.memory_space<hbm>>)
      } else {
      }
      %parallel_loop3A_73 = arith.constant 0 : i32
      %parallel_loop3A_74 = arith.constant 2048 : i32
      %parallel_loop3A_75 = arith.constant 16 : i32
      scf.for %parallel_loop3A_88 = %parallel_loop3A_73 to %parallel_loop3A_74 step %parallel_loop3A_75  : i32 {
        %parallel_loop3A_89 = arith.constant 0 : i32
        %parallel_loop3A_90 = arith.index_cast %parallel_loop3A_89 : i32 to index
        %parallel_loop3A_91 = arith.index_cast %parallel_loop3A_88 : i32 to index
        %parallel_loop3A_92 = tpu.vector_load %arg7[%parallel_loop3A_90, %parallel_loop3A_91] {strides = array<i32>} : memref<8x2048xf32, #tpu.memory_space<vmem>>, vector<16xf32>,
        %parallel_loop3A_93 = vector.bitcast %parallel_loop3A_92 : vector<16xf32> to vector<16xi32>
        %parallel_loop3A_94 = arith.constant 20 : i32
        %parallel_loop3A_95 = vector.broadcast %parallel_loop3A_94 : i32 to vector<16xi32>
        %parallel_loop3A_96 = arith.shrui %parallel_loop3A_93, %parallel_loop3A_95 : vector<16xi32>
        %parallel_loop3A_97 = arith.addf %parallel_loop3A_92, %parallel_loop3A_92 : vector<16xf32>
        %parallel_loop3A_98 = tpu.vector_load_idx %arg5[%parallel_loop3A_96] : memref<4096xi32, #tpu.memory_space<vmem>>[vector<16xi32>], vector<16xi32>,
        %parallel_loop3A_99 = arith.constant 16 : i32
        %parallel_loop3A_100 = vector.broadcast %parallel_loop3A_99 : i32 to vector<16xi32>
        %parallel_loop3A_101 = arith.shli %parallel_loop3A_98, %parallel_loop3A_100 : vector<16xi32>
        %parallel_loop3A_102 = vector.bitcast %parallel_loop3A_101 : vector<16xi32> to vector<16xf32>
        %parallel_loop3A_103 = arith.constant -65536 : i32
        %parallel_loop3A_104 = vector.broadcast %parallel_loop3A_103 : i32 to vector<16xi32>
        %parallel_loop3A_105 = arith.andi %parallel_loop3A_98, %parallel_loop3A_104 : vector<16xi32>
        %parallel_loop3A_106 = vector.bitcast %parallel_loop3A_105 : vector<16xi32> to vector<16xf32>
        %parallel_loop3A_107 = arith.addf %parallel_loop3A_102, %parallel_loop3A_106 : vector<16xf32>
        %parallel_loop3A_108 = arith.cmpf ogt, %parallel_loop3A_97, %parallel_loop3A_107 : vector<16xf32>
        %parallel_loop3A_109 = arith.select %parallel_loop3A_108, %parallel_loop3A_106, %parallel_loop3A_102 : vector<16xi1>, vector<16xf32>
        %parallel_loop3A_110 = arith.constant 0 : i32
        %parallel_loop3A_111 = arith.index_cast %parallel_loop3A_110 : i32 to index
        %parallel_loop3A_112 = arith.index_cast %parallel_loop3A_88 : i32 to index
        %parallel_loop3A_113 = tpu.vector_load %arg9[%parallel_loop3A_111, %parallel_loop3A_112] {strides = array<i32>} : memref<8x2048xf32, #tpu.memory_space<vmem>>, vector<16xf32>,
        tpu.vector_store %arg9[%parallel_loop3A_111, %parallel_loop3A_112], %parallel_loop3A_109 {strides = array<i32>} : memref<8x2048xf32, #tpu.memory_space<vmem>>, vector<16xf32>,
        %parallel_loop3A_114 = arith.constant 1 : i32
        %parallel_loop3A_115 = arith.index_cast %parallel_loop3A_114 : i32 to index
        %parallel_loop3A_116 = arith.index_cast %parallel_loop3A_88 : i32 to index
        %parallel_loop3A_117 = tpu.vector_load %arg7[%parallel_loop3A_115, %parallel_loop3A_116] {strides = array<i32>} : memref<8x2048xf32, #tpu.memory_space<vmem>>, vector<16xf32>,
        %parallel_loop3A_118 = vector.bitcast %parallel_loop3A_117 : vector<16xf32> to vector<16xi32>
        %parallel_loop3A_119 = arith.constant 20 : i32
        %parallel_loop3A_120 = vector.broadcast %parallel_loop3A_119 : i32 to vector<16xi32>
        %parallel_loop3A_121 = arith.shrui %parallel_loop3A_118, %parallel_loop3A_120 : vector<16xi32>
        %parallel_loop3A_122 = arith.addf %parallel_loop3A_117, %parallel_loop3A_117 : vector<16xf32>
        %parallel_loop3A_123 = tpu.vector_load_idx %arg5[%parallel_loop3A_121] : memref<4096xi32, #tpu.memory_space<vmem>>[vector<16xi32>], vector<16xi32>,
        %parallel_loop3A_124 = arith.constant 16 : i32
        %parallel_loop3A_125 = vector.broadcast %parallel_loop3A_124 : i32 to vector<16xi32>
        %parallel_loop3A_126 = arith.shli %parallel_loop3A_123, %parallel_loop3A_125 : vector<16xi32>
        %parallel_loop3A_127 = vector.bitcast %parallel_loop3A_126 : vector<16xi32> to vector<16xf32>
        %parallel_loop3A_128 = arith.constant -65536 : i32
        %parallel_loop3A_129 = vector.broadcast %parallel_loop3A_128 : i32 to vector<16xi32>
        %parallel_loop3A_130 = arith.andi %parallel_loop3A_123, %parallel_loop3A_129 : vector<16xi32>
        %parallel_loop3A_131 = vector.bitcast %parallel_loop3A_130 : vector<16xi32> to vector<16xf32>
        %parallel_loop3A_132 = arith.addf %parallel_loop3A_127, %parallel_loop3A_131 : vector<16xf32>
        %parallel_loop3A_133 = arith.cmpf ogt, %parallel_loop3A_122, %parallel_loop3A_132 : vector<16xf32>
        %parallel_loop3A_134 = arith.select %parallel_loop3A_133, %parallel_loop3A_131, %parallel_loop3A_127 : vector<16xi1>, vector<16xf32>
        %parallel_loop3A_135 = arith.constant 1 : i32
        %parallel_loop3A_136 = arith.index_cast %parallel_loop3A_135 : i32 to index
        %parallel_loop3A_137 = arith.index_cast %parallel_loop3A_88 : i32 to index
        %parallel_loop3A_138 = tpu.vector_load %arg9[%parallel_loop3A_136, %parallel_loop3A_137] {strides = array<i32>} : memref<8x2048xf32, #tpu.memory_space<vmem>>, vector<16xf32>,
        tpu.vector_store %arg9[%parallel_loop3A_136, %parallel_loop3A_137], %parallel_loop3A_134 {strides = array<i32>} : memref<8x2048xf32, #tpu.memory_space<vmem>>, vector<16xf32>,
        %parallel_loop3A_139 = arith.constant 2 : i32
        %parallel_loop3A_140 = arith.index_cast %parallel_loop3A_139 : i32 to index
        %parallel_loop3A_141 = arith.index_cast %parallel_loop3A_88 : i32 to index
        %parallel_loop3A_142 = tpu.vector_load %arg7[%parallel_loop3A_140, %parallel_loop3A_141] {strides = array<i32>} : memref<8x2048xf32, #tpu.memory_space<vmem>>, vector<16xf32>,
        %parallel_loop3A_143 = vector.bitcast %parallel_loop3A_142 : vector<16xf32> to vector<16xi32>
        %parallel_loop3A_144 = arith.constant 20 : i32
        %parallel_loop3A_145 = vector.broadcast %parallel_loop3A_144 : i32 to vector<16xi32>
        %parallel_loop3A_146 = arith.shrui %parallel_loop3A_143, %parallel_loop3A_145 : vector<16xi32>
        %parallel_loop3A_147 = arith.addf %parallel_loop3A_142, %parallel_loop3A_142 : vector<16xf32>
        %parallel_loop3A_148 = tpu.vector_load_idx %arg5[%parallel_loop3A_146] : memref<4096xi32, #tpu.memory_space<vmem>>[vector<16xi32>], vector<16xi32>,
        %parallel_loop3A_149 = arith.constant 16 : i32
        %parallel_loop3A_150 = vector.broadcast %parallel_loop3A_149 : i32 to vector<16xi32>
        %parallel_loop3A_151 = arith.shli %parallel_loop3A_148, %parallel_loop3A_150 : vector<16xi32>
        %parallel_loop3A_152 = vector.bitcast %parallel_loop3A_151 : vector<16xi32> to vector<16xf32>
        %parallel_loop3A_153 = arith.constant -65536 : i32
        %parallel_loop3A_154 = vector.broadcast %parallel_loop3A_153 : i32 to vector<16xi32>
        %parallel_loop3A_155 = arith.andi %parallel_loop3A_148, %parallel_loop3A_154 : vector<16xi32>
        %parallel_loop3A_156 = vector.bitcast %parallel_loop3A_155 : vector<16xi32> to vector<16xf32>
        %parallel_loop3A_157 = arith.addf %parallel_loop3A_152, %parallel_loop3A_156 : vector<16xf32>
        %parallel_loop3A_158 = arith.cmpf ogt, %parallel_loop3A_147, %parallel_loop3A_157 : vector<16xf32>
        %parallel_loop3A_159 = arith.select %parallel_loop3A_158, %parallel_loop3A_156, %parallel_loop3A_152 : vector<16xi1>, vector<16xf32>
        %parallel_loop3A_160 = arith.constant 2 : i32
        %parallel_loop3A_161 = arith.index_cast %parallel_loop3A_160 : i32 to index
        %parallel_loop3A_162 = arith.index_cast %parallel_loop3A_88 : i32 to index
        %parallel_loop3A_163 = tpu.vector_load %arg9[%parallel_loop3A_161, %parallel_loop3A_162] {strides = array<i32>} : memref<8x2048xf32, #tpu.memory_space<vmem>>, vector<16xf32>,
        tpu.vector_store %arg9[%parallel_loop3A_161, %parallel_loop3A_162], %parallel_loop3A_159 {strides = array<i32>} : memref<8x2048xf32, #tpu.memory_space<vmem>>, vector<16xf32>,
        %parallel_loop3A_164 = arith.constant 3 : i32
        %parallel_loop3A_165 = arith.index_cast %parallel_loop3A_164 : i32 to index
        %parallel_loop3A_166 = arith.index_cast %parallel_loop3A_88 : i32 to index
        %parallel_loop3A_167 = tpu.vector_load %arg7[%parallel_loop3A_165, %parallel_loop3A_166] {strides = array<i32>} : memref<8x2048xf32, #tpu.memory_space<vmem>>, vector<16xf32>,
        %parallel_loop3A_168 = vector.bitcast %parallel_loop3A_167 : vector<16xf32> to vector<16xi32>
        %parallel_loop3A_169 = arith.constant 20 : i32
        %parallel_loop3A_170 = vector.broadcast %parallel_loop3A_169 : i32 to vector<16xi32>
        %parallel_loop3A_171 = arith.shrui %parallel_loop3A_168, %parallel_loop3A_170 : vector<16xi32>
        %parallel_loop3A_172 = arith.addf %parallel_loop3A_167, %parallel_loop3A_167 : vector<16xf32>
        %parallel_loop3A_173 = tpu.vector_load_idx %arg5[%parallel_loop3A_171] : memref<4096xi32, #tpu.memory_space<vmem>>[vector<16xi32>], vector<16xi32>,
        %parallel_loop3A_174 = arith.constant 16 : i32
        %parallel_loop3A_175 = vector.broadcast %parallel_loop3A_174 : i32 to vector<16xi32>
        %parallel_loop3A_176 = arith.shli %parallel_loop3A_173, %parallel_loop3A_175 : vector<16xi32>
        %parallel_loop3A_177 = vector.bitcast %parallel_loop3A_176 : vector<16xi32> to vector<16xf32>
        %parallel_loop3A_178 = arith.constant -65536 : i32
        %parallel_loop3A_179 = vector.broadcast %parallel_loop3A_178 : i32 to vector<16xi32>
        %parallel_loop3A_180 = arith.andi %parallel_loop3A_173, %parallel_loop3A_179 : vector<16xi32>
        %parallel_loop3A_181 = vector.bitcast %parallel_loop3A_180 : vector<16xi32> to vector<16xf32>
        %parallel_loop3A_182 = arith.addf %parallel_loop3A_177, %parallel_loop3A_181 : vector<16xf32>
        %parallel_loop3A_183 = arith.cmpf ogt, %parallel_loop3A_172, %parallel_loop3A_182 : vector<16xf32>
        %parallel_loop3A_184 = arith.select %parallel_loop3A_183, %parallel_loop3A_181, %parallel_loop3A_177 : vector<16xi1>, vector<16xf32>
        %parallel_loop3A_185 = arith.constant 3 : i32
        %parallel_loop3A_186 = arith.index_cast %parallel_loop3A_185 : i32 to index
        %parallel_loop3A_187 = arith.index_cast %parallel_loop3A_88 : i32 to index
        %parallel_loop3A_188 = tpu.vector_load %arg9[%parallel_loop3A_186, %parallel_loop3A_187] {strides = array<i32>} : memref<8x2048xf32, #tpu.memory_space<vmem>>, vector<16xf32>,
        tpu.vector_store %arg9[%parallel_loop3A_186, %parallel_loop3A_187], %parallel_loop3A_184 {strides = array<i32>} : memref<8x2048xf32, #tpu.memory_space<vmem>>, vector<16xf32>,
        %parallel_loop3A_189 = arith.constant 4 : i32
        %parallel_loop3A_190 = arith.index_cast %parallel_loop3A_189 : i32 to index
        %parallel_loop3A_191 = arith.index_cast %parallel_loop3A_88 : i32 to index
        %parallel_loop3A_192 = tpu.vector_load %arg7[%parallel_loop3A_190, %parallel_loop3A_191] {strides = array<i32>} : memref<8x2048xf32, #tpu.memory_space<vmem>>, vector<16xf32>,
        %parallel_loop3A_193 = vector.bitcast %parallel_loop3A_192 : vector<16xf32> to vector<16xi32>
        %parallel_loop3A_194 = arith.constant 20 : i32
        %parallel_loop3A_195 = vector.broadcast %parallel_loop3A_194 : i32 to vector<16xi32>
        %parallel_loop3A_196 = arith.shrui %parallel_loop3A_193, %parallel_loop3A_195 : vector<16xi32>
        %parallel_loop3A_197 = arith.addf %parallel_loop3A_192, %parallel_loop3A_192 : vector<16xf32>
        %parallel_loop3A_198 = tpu.vector_load_idx %arg5[%parallel_loop3A_196] : memref<4096xi32, #tpu.memory_space<vmem>>[vector<16xi32>], vector<16xi32>,
        %parallel_loop3A_199 = arith.constant 16 : i32
        %parallel_loop3A_200 = vector.broadcast %parallel_loop3A_199 : i32 to vector<16xi32>
        %parallel_loop3A_201 = arith.shli %parallel_loop3A_198, %parallel_loop3A_200 : vector<16xi32>
        %parallel_loop3A_202 = vector.bitcast %parallel_loop3A_201 : vector<16xi32> to vector<16xf32>
        %parallel_loop3A_203 = arith.constant -65536 : i32
        %parallel_loop3A_204 = vector.broadcast %parallel_loop3A_203 : i32 to vector<16xi32>
        %parallel_loop3A_205 = arith.andi %parallel_loop3A_198, %parallel_loop3A_204 : vector<16xi32>
        %parallel_loop3A_206 = vector.bitcast %parallel_loop3A_205 : vector<16xi32> to vector<16xf32>
        %parallel_loop3A_207 = arith.addf %parallel_loop3A_202, %parallel_loop3A_206 : vector<16xf32>
        %parallel_loop3A_208 = arith.cmpf ogt, %parallel_loop3A_197, %parallel_loop3A_207 : vector<16xf32>
        %parallel_loop3A_209 = arith.select %parallel_loop3A_208, %parallel_loop3A_206, %parallel_loop3A_202 : vector<16xi1>, vector<16xf32>
        %parallel_loop3A_210 = arith.constant 4 : i32
        %parallel_loop3A_211 = arith.index_cast %parallel_loop3A_210 : i32 to index
        %parallel_loop3A_212 = arith.index_cast %parallel_loop3A_88 : i32 to index
        %parallel_loop3A_213 = tpu.vector_load %arg9[%parallel_loop3A_211, %parallel_loop3A_212] {strides = array<i32>} : memref<8x2048xf32, #tpu.memory_space<vmem>>, vector<16xf32>,
        tpu.vector_store %arg9[%parallel_loop3A_211, %parallel_loop3A_212], %parallel_loop3A_209 {strides = array<i32>} : memref<8x2048xf32, #tpu.memory_space<vmem>>, vector<16xf32>,
        %parallel_loop3A_214 = arith.constant 5 : i32
        %parallel_loop3A_215 = arith.index_cast %parallel_loop3A_214 : i32 to index
        %parallel_loop3A_216 = arith.index_cast %parallel_loop3A_88 : i32 to index
        %parallel_loop3A_217 = tpu.vector_load %arg7[%parallel_loop3A_215, %parallel_loop3A_216] {strides = array<i32>} : memref<8x2048xf32, #tpu.memory_space<vmem>>, vector<16xf32>,
        %parallel_loop3A_218 = vector.bitcast %parallel_loop3A_217 : vector<16xf32> to vector<16xi32>
        %parallel_loop3A_219 = arith.constant 20 : i32
        %parallel_loop3A_220 = vector.broadcast %parallel_loop3A_219 : i32 to vector<16xi32>
        %parallel_loop3A_221 = arith.shrui %parallel_loop3A_218, %parallel_loop3A_220 : vector<16xi32>
        %parallel_loop3A_222 = arith.addf %parallel_loop3A_217, %parallel_loop3A_217 : vector<16xf32>
        %parallel_loop3A_223 = tpu.vector_load_idx %arg5[%parallel_loop3A_221] : memref<4096xi32, #tpu.memory_space<vmem>>[vector<16xi32>], vector<16xi32>,
        %parallel_loop3A_224 = arith.constant 16 : i32
        %parallel_loop3A_225 = vector.broadcast %parallel_loop3A_224 : i32 to vector<16xi32>
        %parallel_loop3A_226 = arith.shli %parallel_loop3A_223, %parallel_loop3A_225 : vector<16xi32>
        %parallel_loop3A_227 = vector.bitcast %parallel_loop3A_226 : vector<16xi32> to vector<16xf32>
        %parallel_loop3A_228 = arith.constant -65536 : i32
        %parallel_loop3A_229 = vector.broadcast %parallel_loop3A_228 : i32 to vector<16xi32>
        %parallel_loop3A_230 = arith.andi %parallel_loop3A_223, %parallel_loop3A_229 : vector<16xi32>
        %parallel_loop3A_231 = vector.bitcast %parallel_loop3A_230 : vector<16xi32> to vector<16xf32>
        %parallel_loop3A_232 = arith.addf %parallel_loop3A_227, %parallel_loop3A_231 : vector<16xf32>
        %parallel_loop3A_233 = arith.cmpf ogt, %parallel_loop3A_222, %parallel_loop3A_232 : vector<16xf32>
        %parallel_loop3A_234 = arith.select %parallel_loop3A_233, %parallel_loop3A_231, %parallel_loop3A_227 : vector<16xi1>, vector<16xf32>
        %parallel_loop3A_235 = arith.constant 5 : i32
        %parallel_loop3A_236 = arith.index_cast %parallel_loop3A_235 : i32 to index
        %parallel_loop3A_237 = arith.index_cast %parallel_loop3A_88 : i32 to index
        %parallel_loop3A_238 = tpu.vector_load %arg9[%parallel_loop3A_236, %parallel_loop3A_237] {strides = array<i32>} : memref<8x2048xf32, #tpu.memory_space<vmem>>, vector<16xf32>,
        tpu.vector_store %arg9[%parallel_loop3A_236, %parallel_loop3A_237], %parallel_loop3A_234 {strides = array<i32>} : memref<8x2048xf32, #tpu.memory_space<vmem>>, vector<16xf32>,
        %parallel_loop3A_239 = arith.constant 6 : i32
        %parallel_loop3A_240 = arith.index_cast %parallel_loop3A_239 : i32 to index
        %parallel_loop3A_241 = arith.index_cast %parallel_loop3A_88 : i32 to index
        %parallel_loop3A_242 = tpu.vector_load %arg7[%parallel_loop3A_240, %parallel_loop3A_241] {strides = array<i32>} : memref<8x2048xf32, #tpu.memory_space<vmem>>, vector<16xf32>,
        %parallel_loop3A_243 = vector.bitcast %parallel_loop3A_242 : vector<16xf32> to vector<16xi32>
        %parallel_loop3A_244 = arith.constant 20 : i32
        %parallel_loop3A_245 = vector.broadcast %parallel_loop3A_244 : i32 to vector<16xi32>
        %parallel_loop3A_246 = arith.shrui %parallel_loop3A_243, %parallel_loop3A_245 : vector<16xi32>
        %parallel_loop3A_247 = arith.addf %parallel_loop3A_242, %parallel_loop3A_242 : vector<16xf32>
        %parallel_loop3A_248 = tpu.vector_load_idx %arg5[%parallel_loop3A_246] : memref<4096xi32, #tpu.memory_space<vmem>>[vector<16xi32>], vector<16xi32>,
        %parallel_loop3A_249 = arith.constant 16 : i32
        %parallel_loop3A_250 = vector.broadcast %parallel_loop3A_249 : i32 to vector<16xi32>
        %parallel_loop3A_251 = arith.shli %parallel_loop3A_248, %parallel_loop3A_250 : vector<16xi32>
        %parallel_loop3A_252 = vector.bitcast %parallel_loop3A_251 : vector<16xi32> to vector<16xf32>
        %parallel_loop3A_253 = arith.constant -65536 : i32
        %parallel_loop3A_254 = vector.broadcast %parallel_loop3A_253 : i32 to vector<16xi32>
        %parallel_loop3A_255 = arith.andi %parallel_loop3A_248, %parallel_loop3A_254 : vector<16xi32>
        %parallel_loop3A_256 = vector.bitcast %parallel_loop3A_255 : vector<16xi32> to vector<16xf32>
        %parallel_loop3A_257 = arith.addf %parallel_loop3A_252, %parallel_loop3A_256 : vector<16xf32>
        %parallel_loop3A_258 = arith.cmpf ogt, %parallel_loop3A_247, %parallel_loop3A_257 : vector<16xf32>
        %parallel_loop3A_259 = arith.select %parallel_loop3A_258, %parallel_loop3A_256, %parallel_loop3A_252 : vector<16xi1>, vector<16xf32>
        %parallel_loop3A_260 = arith.constant 6 : i32
        %parallel_loop3A_261 = arith.index_cast %parallel_loop3A_260 : i32 to index
        %parallel_loop3A_262 = arith.index_cast %parallel_loop3A_88 : i32 to index
        %parallel_loop3A_263 = tpu.vector_load %arg9[%parallel_loop3A_261, %parallel_loop3A_262] {strides = array<i32>} : memref<8x2048xf32, #tpu.memory_space<vmem>>, vector<16xf32>,
        tpu.vector_store %arg9[%parallel_loop3A_261, %parallel_loop3A_262], %parallel_loop3A_259 {strides = array<i32>} : memref<8x2048xf32, #tpu.memory_space<vmem>>, vector<16xf32>,
        %parallel_loop3A_264 = arith.constant 7 : i32
        %parallel_loop3A_265 = arith.index_cast %parallel_loop3A_264 : i32 to index
        %parallel_loop3A_266 = arith.index_cast %parallel_loop3A_88 : i32 to index
        %parallel_loop3A_267 = tpu.vector_load %arg7[%parallel_loop3A_265, %parallel_loop3A_266] {strides = array<i32>} : memref<8x2048xf32, #tpu.memory_space<vmem>>, vector<16xf32>,
        %parallel_loop3A_268 = vector.bitcast %parallel_loop3A_267 : vector<16xf32> to vector<16xi32>
        %parallel_loop3A_269 = arith.constant 20 : i32
        %parallel_loop3A_270 = vector.broadcast %parallel_loop3A_269 : i32 to vector<16xi32>
        %parallel_loop3A_271 = arith.shrui %parallel_loop3A_268, %parallel_loop3A_270 : vector<16xi32>
        %parallel_loop3A_272 = arith.addf %parallel_loop3A_267, %parallel_loop3A_267 : vector<16xf32>
        %parallel_loop3A_273 = tpu.vector_load_idx %arg5[%parallel_loop3A_271] : memref<4096xi32, #tpu.memory_space<vmem>>[vector<16xi32>], vector<16xi32>,
        %parallel_loop3A_274 = arith.constant 16 : i32
        %parallel_loop3A_275 = vector.broadcast %parallel_loop3A_274 : i32 to vector<16xi32>
        %parallel_loop3A_276 = arith.shli %parallel_loop3A_273, %parallel_loop3A_275 : vector<16xi32>
        %parallel_loop3A_277 = vector.bitcast %parallel_loop3A_276 : vector<16xi32> to vector<16xf32>
        %parallel_loop3A_278 = arith.constant -65536 : i32
        %parallel_loop3A_279 = vector.broadcast %parallel_loop3A_278 : i32 to vector<16xi32>
        %parallel_loop3A_280 = arith.andi %parallel_loop3A_273, %parallel_loop3A_279 : vector<16xi32>
        %parallel_loop3A_281 = vector.bitcast %parallel_loop3A_280 : vector<16xi32> to vector<16xf32>
        %parallel_loop3A_282 = arith.addf %parallel_loop3A_277, %parallel_loop3A_281 : vector<16xf32>
        %parallel_loop3A_283 = arith.cmpf ogt, %parallel_loop3A_272, %parallel_loop3A_282 : vector<16xf32>
        %parallel_loop3A_284 = arith.select %parallel_loop3A_283, %parallel_loop3A_281, %parallel_loop3A_277 : vector<16xi1>, vector<16xf32>
        %parallel_loop3A_285 = arith.constant 7 : i32
        %parallel_loop3A_286 = arith.index_cast %parallel_loop3A_285 : i32 to index
        %parallel_loop3A_287 = arith.index_cast %parallel_loop3A_88 : i32 to index
        %parallel_loop3A_288 = tpu.vector_load %arg9[%parallel_loop3A_286, %parallel_loop3A_287] {strides = array<i32>} : memref<8x2048xf32, #tpu.memory_space<vmem>>, vector<16xf32>,
        tpu.vector_store %arg9[%parallel_loop3A_286, %parallel_loop3A_287], %parallel_loop3A_284 {strides = array<i32>} : memref<8x2048xf32, #tpu.memory_space<vmem>>, vector<16xf32>,
      } {sc.loop_unroll_factor = 1 : i64, sc.parallel_access}
      %mul3A_76 = arith.constant 8 : i32
      %mul3A_77 = arith.muli %add3A_60, %mul3A_76 : i32
      %add3A_78 = arith.addi %mul3A_2, %mul3A_77 : i32
      %dma_start3A_79 = arith.constant 0 : i32
      %dma_start3A_80 = tpu.memref_slice %arg4[%add3A_78, %dma_start3A_79] : memref<16384x2048xf32, #tpu.memory_space<hbm>> -> memref<8x2048xf32, #tpu.memory_space<hbm>>
      %dma_start3A_81 = arith.constant 0 : i32
      %dma_start3A_82 = tpu.memref_slice %arg4[%add3A_78, %dma_start3A_81] : memref<16384x2048xf32, #tpu.memory_space<hbm>> -> memref<8x2048xf32, #tpu.memory_space<hbm>>
      tpu.enqueue_dma source(%arg9 : memref<8x2048xf32, #tpu.memory_space<vmem>>) target(%dma_start3A_82 : memref<8x2048xf32, #tpu.memory_space<hbm>>) target_semaphore(%arg13 : memref<!tpu.dma_semaphore, #tpu.memory_space<semaphore_mem>>)
      %lt3A_83 = arith.constant 31 : i32
      %lt3A_84 = arith.cmpi slt, %scan3A_30, %lt3A_83 : i32
      %convert_element_type3A_85 = arith.extui %lt3A_84 : i1 to i32
      %cond3A_86 = arith.constant 0 : i32
      %cond3A_87 = arith.cmpi ne, %convert_element_type3A_85, %cond3A_86 : i32
      scf.if %cond3A_87 {
        %add3A_88 = arith.constant 2 : i32
        %add3A_89 = arith.addi %add3A_60, %add3A_88 : i32
        %mul3A_90 = arith.constant 8 : i32
        %mul3A_91 = arith.muli %add3A_89, %mul3A_90 : i32
        %add3A_92 = arith.addi %mul3A_2, %mul3A_91 : i32
        %dma_start3A_93 = arith.constant 0 : i32
        %dma_start3A_94 = tpu.memref_slice %arg2[%add3A_92, %dma_start3A_93] : memref<16384x2048xf32, #tpu.memory_space<hbm>> -> memref<8x2048xf32, #tpu.memory_space<hbm>>
        %dma_start3A_95 = arith.constant 0 : i32
        %dma_start3A_96 = tpu.memref_slice %arg2[%add3A_92, %dma_start3A_95] : memref<16384x2048xf32, #tpu.memory_space<hbm>> -> memref<8x2048xf32, #tpu.memory_space<hbm>>
        tpu.enqueue_dma source(%dma_start3A_96 : memref<8x2048xf32, #tpu.memory_space<hbm>>) target(%arg7 : memref<8x2048xf32, #tpu.memory_space<vmem>>) target_semaphore(%arg11 : memref<!tpu.dma_semaphore, #tpu.memory_space<semaphore_mem>>)
      } else {
      }
    }
    %scan3A_18 = arith.constant 32 : i32
    %add3A_19 = arith.constant 496 : i32
    %add3A_20 = arith.addi %mul3A_2, %add3A_19 : i32
    %dma_wait3A = arith.constant 0 : i32
    %dma_wait3A_21 = tpu.memref_slice %arg4[%add3A_20, %dma_wait3A] : memref<16384x2048xf32, #tpu.memory_space<hbm>> -> memref<8x2048xf32, #tpu.memory_space<hbm>>
    %dma_wait3A_22 = arith.constant 0 : i32
    %dma_wait3A_23 = tpu.memref_slice %arg4[%add3A_20, %dma_wait3A_22] : memref<16384x2048xf32, #tpu.memory_space<hbm>> -> memref<8x2048xf32, #tpu.memory_space<hbm>>
    tpu.wait_dma2 semaphore(%arg12 : memref<!tpu.dma_semaphore, #tpu.memory_space<semaphore_mem>>) src(%arg8 : memref<8x2048xf32, #tpu.memory_space<vmem>>) dst(%dma_wait3A_23 : memref<8x2048xf32, #tpu.memory_space<hbm>>)
    %add3A_24 = arith.constant 504 : i32
    %add3A_25 = arith.addi %mul3A_2, %add3A_24 : i32
    %dma_wait3A_26 = arith.constant 0 : i32
    %dma_wait3A_27 = tpu.memref_slice %arg4[%add3A_25, %dma_wait3A_26] : memref<16384x2048xf32, #tpu.memory_space<hbm>> -> memref<8x2048xf32, #tpu.memory_space<hbm>>
    %dma_wait3A_28 = arith.constant 0 : i32
    %dma_wait3A_29 = tpu.memref_slice %arg4[%add3A_25, %dma_wait3A_28] : memref<16384x2048xf32, #tpu.memory_space<hbm>> -> memref<8x2048xf32, #tpu.memory_space<hbm>>
    tpu.wait_dma2 semaphore(%arg13 : memref<!tpu.dma_semaphore, #tpu.memory_space<semaphore_mem>>) src(%arg9 : memref<8x2048xf32, #tpu.memory_space<vmem>>) dst(%dma_wait3A_29 : memref<8x2048xf32, #tpu.memory_space<hbm>>)
    return
  }
}

</mosaic_0001>

<sc_bundles>
// kernel: _sc_quantize.3.cloned.1.call-start
scs
__scs_entry_jumppad:
0x0: {  	(pc) =	sbr.rel $0x88, $3  }
0x1: {  	(tag) =	ssettag $0x0;
	lr =	simm.s32 $0x1  }
0x2: {  	[smem:$0x3F9F] =	sst lr;
	_ =	strace $0xD0000000  }
0x3: {  	_ = 	snop  }
0x4: {  	_ = 	snop  }
0x5: {  	_ = 	snop  }
0x6: {  	_ = 	snop  }
0x7: {  	_ = 	snop  }
__scs_overlays_trampoline_lowered:
0x8: {  	[smem:$0x3FAE] =	sst s0  }
0x9: {  	[smem:$0x3FAF] =	sst s1  }
0xa: {  	[smem:$0x3FB0] =	sst s2  }
0xb: {  	[smem:$0x3FB1] =	sst s3  }
0xc: {  	[smem:$0x3FB2] =	sst s4  }
0xd: {  	[smem:$0x3FB3] =	sst s5  }
0xe: {  	[smem:$0x3FB4] =	sst s6  }
0xf: {  	[smem:$0x3FB5] =	sst s7  }
0x10: {  	[smem:$0x3FB6] =	sst s8  }
0x11: {  	[smem:$0x3FB7] =	sst s9;
	s0 =	simm.s32 @!p0 $0x0  }
0x12: {  	s1 =	sld [smem:$0x3F9D];
	s0 =	simm.s32 @p0 $0x1  }
0x13: {  	[smem:$0x3FB8] =	sst s0;
	s0 =	simm.s32 @!p1 $0x0  }
0x14: {  	s2 =	sld [smem:$0x3F9C];
	s0 =	simm.s32 @p1 $0x1  }
0x15: {  	[smem:$0x3FB9] =	sst s0;
	s0 =	simm.s32 @!p2 $0x0  }
0x16: {  	s3 =	sld [smem:$0x3FDB];
	s0 =	simm.s32 @p2 $0x1  }
0x17: {  	s4 =	simm.s32 $0x1BF5;
	[smem:$0x3FBB] =	sst s0  }
0x18: {  	s0 =	sld [smem:$0x3F9E];
	_ =	swait.ge [sflag:s4], $0x0  }
0x19: {  	s7 =	sld [smem:$0x3F9F]  }
0x1a: {  	s8 =	sadd.s32 $0xFFFFE003, lr  }
0x1b: {  	s9 =	sadd.s32 $0xFFFFFEF7, lr;
	s5 =	simm.s32 $0xFFFFFFFF;
	p2 =	slt.u32 s8, $0xFFFFF086  }
0x1c: {  	p1 =	slt.u32 s9, $0xF7A;
	s5 =	simm.s32 @!p2 $0x0  }
0x1d: {  	s5 =	simm.s32 @p1 $0x1;
	p0 =	seq.s32 s7, s2  }
0x1e: {  	s7 =	smul.u32 @!p0 $0xF7A, s2;
	p2 =	seq.s32 @!p0 s5, $0x0  }
0x1f: {  	s9 =	smul.u32 $0xF7A, s1;
	s8 =	simm.s32 @!p0 $0x1BF5;
	p2 =	por !p2, p0  }
0x20: {  	[sflag:s8] =	ssyncset.s32 @!p0 $0xFFFFF086;
	s6 =	sadd.s32 @!p0 s3, s7;
	s7 =	simm.s32 @!p0 $0x108  }
0x21: {  	s3 =	sadd.s32 s3, s9;
	s6 =	sadd.s32 @!p0 $0x88, s6;
	s7 =	simm.s32 @p2 $0x1082  }
0x22: {  	[simem:s7], [sflag:s8] =	dma.local @!p0 [hbm:s6], $0xF7A  }
0x23: {  	s9 =	sor.u32 $0xD0000000, s2;
	s6 =	simm.s32 $0x108;
	_ =	swait.ge @!p0 [sflag:s8], $0x0  }
0x24: {  	s3 =	sadd.s32 $0x88, s3;
	s6 =	simm.s32 @!p1 $0x1082;
	[sflag:s4] =	ssyncset.s32 $0xFFFFF086  }
0x25: {  	[simem:s6], [sflag:s4] =	dma.local [hbm:s3], $0xF7A  }
0x26: {  	[smem:$0x3F9F] =	sst s1;
	(tag) =	ssettag s2;
	_ =	strace s9  }
0x27: {  	s1 =	sld [smem:$0x3FAF]  }
0x28: {  	s2 =	sld [smem:$0x3FB0]  }
0x29: {  	s4 =	sld [smem:$0x3FB2]  }
0x2a: {  	p0 =	seq.s32 s5, $0x0;
	s5 =	sld [smem:$0x3FB3]  }
0x2b: {  	s6 =	sld [smem:$0x3FB4]  }
0x2c: {  	s7 =	sld [smem:$0x3FB5]  }
0x2d: {  	s3 =	simm.s32 $0x108;
	s8 =	sld [smem:$0x3FB6]  }
0x2e: {  	s3 =	simm.s32 @!p0 $0x1082;
	s9 =	sld [smem:$0x3FB7]  }
0x2f: {  	lr =	sadd.s32 s0, s3;
	s0 =	sld [smem:$0x3FAE]  }
0x30: {  	s3 =	sld [smem:$0x3FB1]  }
0x31: {  	[smem:$0x3FBA] =	sst s10  }
0x32: {  	s10 =	sld [smem:$0x3FB8];
	_ =	sdelay $0x3  }
0x33: {  	p0 =	seq.s32 s10, $0x1;
	s10 =	sld [smem:$0x3FBA];
	_ =	sdelay $0x3  }
0x34: {  	[smem:$0x3FBA] =	sst s10  }
0x35: {  	s10 =	sld [smem:$0x3FB9];
	_ =	sdelay $0x3  }
0x36: {  	p1 =	seq.s32 s10, $0x1;
	s10 =	sld [smem:$0x3FBA];
	_ =	sdelay $0x3  }
0x37: {  	[smem:$0x3FBA] =	sst s10  }
0x38: {  	s10 =	sld [smem:$0x3FBB]  }
0x39: {  	_ = 	snop;
	(pc) =	sbr.ind lr, $3  }
0x3a: {  	_ = 	snop  }
0x3b: {  	_ = 	snop  }
0x3c: {  	p2 =	seq.s32 s10, $0x1;
	s10 =	sld [smem:$0x3FBA]  }
0x3d: {  	_ =	shalt  }
0x3e: {  	_ =	shalt  }
0x3f: {  	_ =	shalt  }
0x40: {  	_ =	shalt  }
0x41: {  	_ =	shalt  }
0x42: {  	_ =	shalt  }
0x43: {  	_ =	shalt  }
0x44: {  	_ =	shalt  }
0x45: {  	_ =	shalt  }
0x46: {  	_ =	shalt  }
0x47: {  	_ =	shalt  }
0x48: {  	_ =	shalt  }
0x49: {  	_ =	shalt  }
0x4a: {  	_ =	shalt  }
0x4b: {  	_ =	shalt  }
0x4c: {  	_ =	shalt  }
0x4d: {  	_ =	shalt  }
0x4e: {  	_ =	shalt  }
0x4f: {  	_ =	shalt  }
0x50: {  	_ =	shalt  }
0x51: {  	_ =	shalt  }
0x52: {  	_ =	shalt  }
0x53: {  	_ =	shalt  }
0x54: {  	_ =	shalt  }
0x55: {  	_ =	shalt  }
0x56: {  	_ =	shalt  }
0x57: {  	_ =	shalt  }
0x58: {  	_ =	shalt  }
0x59: {  	_ =	shalt  }
0x5a: {  	_ =	shalt  }
0x5b: {  	_ =	shalt  }
0x5c: {  	_ =	shalt  }
0x5d: {  	_ =	shalt  }
0x5e: {  	_ =	shalt  }
0x5f: {  	_ =	shalt  }
0x60: {  	_ =	shalt  }
0x61: {  	_ =	shalt  }
0x62: {  	_ =	shalt  }
0x63: {  	_ =	shalt  }
0x64: {  	_ =	shalt  }
0x65: {  	_ =	shalt  }
0x66: {  	_ =	shalt  }
0x67: {  	_ =	shalt  }
0x68: {  	_ =	shalt  }
0x69: {  	_ =	shalt  }
0x6a: {  	_ =	shalt  }
0x6b: {  	_ =	shalt  }
0x6c: {  	_ =	shalt  }
0x6d: {  	_ =	shalt  }
0x6e: {  	_ =	shalt  }
0x6f: {  	_ =	shalt  }
0x70: {  	_ =	shalt  }
0x71: {  	_ =	shalt  }
0x72: {  	_ =	shalt  }
0x73: {  	_ =	shalt  }
0x74: {  	_ =	shalt  }
0x75: {  	_ =	shalt  }
0x76: {  	_ =	shalt  }
0x77: {  	_ =	shalt  }
0x78: {  	_ =	shalt  }
0x79: {  	_ =	shalt  }
0x7a: {  	_ =	shalt  }
0x7b: {  	_ =	shalt  }
0x7c: {  	_ =	shalt  }
0x7d: {  	_ =	shalt  }
0x7e: {  	_ =	shalt  }
0x7f: {  	_ =	shalt  }
0x80: {  	_ =	shalt  }
0x81: {  	_ =	shalt  }
0x82: {  	_ =	shalt  }
0x83: {  	_ =	shalt  }
0x84: {  	_ =	shalt  }
0x85: {  	_ =	shalt  }
0x86: {  	_ =	shalt  }
0x87: {  	_ =	shalt  }
.Lfunc_end0:
.L_simem_size_0:
called_computation_lowered:
.L_overlay_start_0:
0x88: {  	s2 =	sld [smem:$0x3FD9]  }
0x89: {  	s3 =	sld [smem:$0x3FFE];
	_ =	sdelay $0x1  }
0x8a: {  	s1 =	srdreg.scid  }
0x8b: {  	s0 =	sand.u32 $0x1, s1  }
0x8c: {  	s18 =	sshll.u32 s0, $0xA;
	s2 =	sadd.s32 s3, s2  }
0x8d: {  	s2 =	sadd.s32 s2, s18  }
0x8e: {  	[smem:$0x3FC6] =	sst s2  }
0x8f: {  	_ = 	snop  }
0x90: {  	s2 =	sld [smem:$0x3FC9]  }
0x91: {  	s19 =	sld [smem:$0x3FC8]  }
0x92: {  	s4 =	sld [smem:$0x3FD0];
	(tm) =	ssettm $0x1  }
0x93: {  	s5 =	sld [smem:$0x3FFB];
	_ =	sdelay $0x3  }
0x94: {  	_ =	strace s5  }
0x95: {  	s5 =	sld [smem:$0x3FFC];
	_ =	sdelay $0x3  }
0x96: {  	_ =	strace s5  }
0x97: {  	s5 =	sld [smem:$0x3FFD];
	_ =	sdelay $0x3  }
0x98: {  	_ =	strace s5  }
0x99: {  	_ =	strace $0x8FFFFFFF  }
0x9a: {  	s20 =	sld [smem:$0x3FDB];
	_ =	sdelay $0x1  }
0x9b: {  	s6 =	simm.s32 $_scs_section_size  }
0x9c: {  	s7 =	simm.s32 $_size__tile_overlayer_lowered;
	s8 =	simm.s32 $_tile_overlayer_lowered  }
0x9d: {  	s23 =	simm.s32 $0x1BFF;
	s22 =	sshll.u32 s8, $0x1;
	s5 =	sadd.s32 s6, s20  }
0x9e: {  	s9 =	simm.s32 $0x0;
	s21 =	sshll.u32 s7, $0x1;
	s7 =	sadd.s32 s22, s5  }
0x9f: {  	[timem:s9], [sflag:s23] =	dma.local [hbm:s7], s21  }
0xa0: {  	_ =	swait.ge [sflag:s23], s21  }
0xa1: {  	s6 =	ssub.s32 $0x0, s21;
	[sflag:s23] =	ssyncset.done $0x0  }
0xa2: {  	[sflag:s23] =	ssyncadd.s32 s6;
	_ =	sdelay $0x1  }
0xa3: {  	s24 =	simm.s32 $0x1B8B  }
0xa4: {  	_ =	swait.ge [sflag:s24], $0x1  }
0xa5: {  	[sflag:s24] =	ssyncset.done $0x0  }
0xa6: {  	s25 =	simm.s32 $0x1B8E;
	[sflag:s24] =	ssyncadd.s32 $0xFFFFFFFF  }
0xa7: {  	s26 =	simm.s32 $execute0_lowered;
	[smem:$0x3FD2] =	sst s25  }
0xa8: {  	s6 =	sshll.u32 s26, $0x1;
	_ =	strace $0x80000046;
	[dreg:$0x1] =	wrdreg $0xFFFFFFFF  }
0xa9: {  	s28 =	simm.s32 $_size_execute0_lowered;
	s5 =	sadd.s32 s5, s6;
	[dreg:$0x0] =	wrdreg $0x0  }
0xaa: {  	s6 =	sshll.u32 s28, $0x1;
	[dreg:$0x2] =	wrdreg s5  }
0xab: {  	[dreg:$0x3] =	wrdreg s6  }
0xac: {  	[dreg:$0x4] =	wrdreg $0xC0  }
0xad: {  	_ =	task [dreg:s9], $0x5FFFF  }
0xae: {  	[dreg:$0x1] =	wrdreg $0xFFFFFFFF  }
0xaf: {  	[dreg:$0x0] =	wrdreg $0x60  }
0xb0: {  	[dreg:$0x2] =	wrdreg s2  }
0xb1: {  	[dreg:$0x3] =	wrdreg s19  }
0xb2: {  	[dreg:$0x4] =	wrdreg s4  }
0xb3: {  	[dreg:$0x5] =	wrdreg $0x9  }
0xb4: {  	_ =	task.clear_ibuf [dreg:s9], $0x6FFFF;
	_ =	strace $0x90000046  }
0xb5: {  	s29 =	simm.s32 $0x9;
	_ =	strace $0x80000048  }
0xb6: {  	_ =	swait.ge [sflag:s29], $0x1  }
0xb7: {  	[sflag:s29] =	ssyncadd.s32 $0xFFFFFFFF  }
0xb8: {  	_ =	strace $0x90000048  }
0xb9: {  	_ =	sfence  }
0xba: {  	s30 =	sld [smem:$0x0];
	_ =	sdelay $0x2  }
0xbb: {  	s31 =	sshll.u32 s1, $0xD;
	s1 =	sshrl.u32 s1, $0x2  }
0xbc: {  	s3 =	sand.u32 $0x4000, s31;
	s1 =	sadd.s32 s1, s30  }
0xbd: {  	s0 =	sor.u32 s3, s0;
	s1 =	sshll.u32 s1, $0x11  }
0xbe: {  	s0 =	sor.u32 s1, s0  }
0xbf: {  	s0 =	sadd.s32 $0x8F2B, s0  }
0xc0: {  	[sflag:s0] =	ssyncadd.remote.s32 $0x1  }
0xc1: {  	_ =	sfence.sel $0xFFFF  }
0xc2: {  	[dreg:$0x0] =	wrdreg $0xFFFFFFFF;
	(pc) =	sbr.abs _section_cstart, $3  }
0xc3: {  	[dreg:$0x1] =	wrdreg $0xFFFFFFFF  }
0xc4: {  	_ =	task.clear_ibuf [dreg:s9], $0x2FFFF;
	_ =	strace $0x9FFFFFFF  }
0xc5: {  	(tm) =	ssettm $0x7FFFFFFF  }
tec
execute0_lowered:
.L_overlay_start_1:
0x0: {  	(tag) =	ssettag $0x1  }
0x1: {  	s2 =	rddreg [dreg:$0x0];
	s0 =	srdreg.scid  }
0x2: {  	s4 =	rddreg [dreg:$0x2];
	s1 =	stileid.u32  }
0x3: {  	s5 =	simm.s32 $0x0;
	s15 =	simm.s32 $0x5000;
	s16 =	simm.s32 $0x1  }
0x4: {  	s17 =	simm.s32 $0x9000;
	s18 =	simm.s32 $0x2;
	s0 =	sand.u32 $0x1, s0  }
0x5: {  	s19 =	simm.s32 $0xD000;
	s1 =	sshll.u32 s1, $0xA;
	s3 =	sshll.u32 s0, $0x9  }
0x6: {  	[smem:$0x7FF] =	sst s5;
	s0 =	ssub.s32 $0x2, s0;
	s6 =	sor.u32 s3, s1  }
.Ltmp0:
0x7: {  	s30 =	sshrl.u32 s0, $0x1;
	s3 =	sshll.u32 s6, $0x8;
	(pc) =	sbr.rel .LBB2_1-.Ltmp0, $4  }
0x8: {  	_ =	strace $0x80000047;
	s0 =	ssub.s32 s0, s30;
	s31 =	sadd.s32 s2, s3  }
0x9: {  	s10 =	sor.u32 $0x10, s6;
	s0 =	smax.u32 s0, $0x1;
	[dreg:$0x4] =	wrdreg s31  }
0xa: {  	s11 =	sor.u32 $0x18, s6;
	s1 =	sadd.s32 $0x800, s31;
	[dreg:$0x6] =	wrdreg s0  }
0xb: {  	s9 =	sadd.s32 s4, s3;
	s3 =	simm.s32 $0x0;
	[dreg:$0x5] =	wrdreg s1  }
.LBB2_8:
0xc: {  	s0 =	simm.s32 $0x3  }
0xd: {  	_ =	swait.ge [sflag:s0], $0x4000  }
0xe: {  	[sflag:s0] =	ssyncset.done $0x0  }
0xf: {  	s1 =	simm.s32 $0x4;
	[sflag:s0] =	ssyncadd.s32 $0xFFFFC000  }
0x10: {  	_ =	swait.ge [sflag:s1], $0x4000  }
0x11: {  	s3 =	rddreg [dreg:$0x7]  }
0x12: {  	s31 =	rddreg [dreg:$0x6];
	s3 =	sadd.s32 $0x1, s3  }
0x13: {  	p0 =	sne.s32 s3, s31  }
.Ltmp1:
0x14: {  	_ = 	snop;
	(pc) =	sbr.rel @!p0 .LBB2_9-.Ltmp1, $3  }
0x15: {  	_ =	sdelay $0x1  }
0x16: {  	[sflag:s1] =	ssyncset.done $0x0  }
0x17: {  	[sflag:s1] =	ssyncadd.s32 $0xFFFFC000  }
.LBB2_1:
0x18: {  	[dreg:$0x7] =	wrdreg s3  }
0x19: {  	s0 =	rddreg [dreg:$0x1];
	s29 =	simm.s32 $0x5  }
0x1a: {  	[tilespmem:s5], [sflag:$0x5] =	stream.linear.gather [hbm4b:s0+s5], $0x1000, $0x38;
	[tilespmem:$0x11000] =	vst v63  }
0x1b: {  	_ =	swait.ge [sflag:s29], $0x1000  }
0x1c: {  	[sflag:s29] =	ssyncset.done $0x0  }
0x1d: {  	s1 =	simm.s32 $0x1000;
	s30 =	rddreg [dreg:$0x4];
	[sflag:s29] =	ssyncadd.s32 $0xFFFFF000  }
0x1e: {  	[tilespmem:s1], [sflag:$0x1] =	stream.linear.gather [hbm4b:s30+s5], $0x4000, $0x38;
	[tilespmem:$0x11000] =	vst v63  }
0x1f: {  	s23 =	simm.s32 $0x0;
	s31 =	rddreg [dreg:$0x5]  }
0x20: {  	[tilespmem:s15], [sflag:$0x2] =	stream.linear.gather [hbm4b:s31+s5], $0x4000, $0x38;
	[tilespmem:$0x11000] =	vst v63  }
.LBB2_2:
0x21: {  	_ =	swait.ge [sflag:s16], $0x4000  }
0x22: {  	p0 =	seq.s32 s23, $0x0;
	[sflag:s16] =	ssyncset.done $0x0  }
0x23: {  	s0 =	simm.s32 @!p0 $0x3;
	[sflag:s16] =	ssyncadd.s32 $0xFFFFC000  }
0x24: {  	s26 =	simm.s32 $0x0;
	s1 =	simm.s32 $0x0;
	_ =	swait.ge @!p0 [sflag:s0], $0x4000  }
0x25: {  	s1 =	sand.u32 $0x70, s1;
	s3 =	sand.u32 $0x3C00, s26;
	[sflag:s0] =	ssyncset.done @!p0 $0x0  }
0x26: {  	s7 =	sor.u32 s1, s3;
	[sflag:s0] =	ssyncadd.s32 @!p0 $0xFFFFC000  }
0x27: {  	v0 =	vld [tilespmem:s7+$0x1000];
	_ =	sdelay $0x4  }
0x28: {  	v1 =	vshrl.u32 v0, $0x14;
	_ =	sdelay $0x4  }
0x29: {  	v1 =	vld.idx.msk [tilespmem:v1+s5+$0x0], $0xffff  }
0x2a: {  	v2 =	vld [tilespmem:s7+$0x1080];
	_ =	sdelay $0x2  }
0x2b: {  	s25 =	simm.s32 $0x80;
	s3 =	simm.s32 $0x10  }
0x2c: {  	s8 =	sand.u32 $0x3C00, s25;
	s0 =	sand.u32 $0x70, s3;
	v3 =	vshll.u32 v1, $0x10;
	v1 =	vand.u32 $0xFFFF0000, v1  }
0x2d: {  	s28 =	sor.u32 s0, s8;
	v0 =	vadd.f32 v0, v0;
	v5 =	vshrl.u32 v2, $0x14;
	v4 =	vadd.f32 v1, v3  }
0x2e: {  	v6 =	vld [tilespmem:s28+$0x1000]  }
0x2f: {  	vm0 =	vgt.f32 v0, v4  }
0x30: {  	v0 =	vsel vm0, v1, v3  }
0x31: {  	[tilespmem:s7+$0x9000] =	vst v0  }
0x32: {  	v0 =	vld.idx.msk [tilespmem:v5+s5+$0x0], $0xffff  }
0x33: {  	v1 =	vshrl.u32 v6, $0x14;
	v3 =	vld [tilespmem:s7+$0x1100];
	_ =	sdelay $0x3  }
0x34: {  	v4 =	vshll.u32 v0, $0x10;
	v0 =	vand.u32 $0xFFFF0000, v0  }
0x35: {  	v2 =	vadd.f32 v2, v2;
	v1 =	vld.idx.msk [tilespmem:v1+s5+$0x0], $0xffff;
	v7 =	vshrl.u32 v3, $0x14;
	v5 =	vadd.f32 v0, v4  }
0x36: {  	v8 =	vld [tilespmem:s28+$0x1080]  }
0x37: {  	vm9 =	vgt.f32 v2, v5  }
0x38: {  	v0 =	vsel vm9, v0, v4  }
0x39: {  	s12 =	simm.s32 $0x20;
	s29 =	simm.s32 $0x100;
	[tilespmem:s7+$0x9080] =	vst v0  }
0x3a: {  	s13 =	sand.u32 $0x3C00, s29;
	s0 =	sand.u32 $0x70, s12;
	v0 =	vshll.u32 v1, $0x10;
	v1 =	vand.u32 $0xFFFF0000, v1;
	v2 =	vld.idx.msk [tilespmem:v7+s5+$0x0], $0xffff  }
0x3b: {  	s30 =	sor.u32 s0, s13;
	v4 =	vadd.f32 v6, v6;
	v6 =	vshrl.u32 v8, $0x14;
	v5 =	vadd.f32 v1, v0;
	v7 =	vld [tilespmem:s7+$0x1180]  }
0x3c: {  	v9 =	vld [tilespmem:s30+$0x1000]  }
0x3d: {  	vm10 =	vgt.f32 v4, v5  }
0x3e: {  	v0 =	vsel vm10, v1, v0  }
0x3f: {  	[tilespmem:s28+$0x9000] =	vst v0;
	v0 =	vshll.u32 v2, $0x10;
	v1 =	vand.u32 $0xFFFF0000, v2  }
0x40: {  	v3 =	vadd.f32 v3, v3;
	v2 =	vld.idx.msk [tilespmem:v6+s5+$0x0], $0xffff;
	v5 =	vshrl.u32 v7, $0x14;
	v4 =	vadd.f32 v1, v0  }
0x41: {  	v10 =	vld [tilespmem:s28+$0x1100];
	v6 =	vshrl.u32 v9, $0x14  }
0x42: {  	vm11 =	vgt.f32 v3, v4  }
0x43: {  	v0 =	vsel vm11, v1, v0  }
0x44: {  	v1 =	vld [tilespmem:s7+$0x1200];
	[tilespmem:s7+$0x9100] =	vst v0  }
0x45: {  	v3 =	vshll.u32 v2, $0x10;
	v2 =	vand.u32 $0xFFFF0000, v2;
	v0 =	vld.idx.msk [tilespmem:v5+s5+$0x0], $0xffff  }
0x46: {  	v4 =	vld.idx.msk [tilespmem:v6+s5+$0x0], $0xffff;
	v5 =	vadd.f32 v8, v8;
	v6 =	vadd.f32 v2, v3;
	v8 =	vshrl.u32 v10, $0x14  }
0x47: {  	s14 =	simm.s32 $0x30;
	s0 =	simm.s32 $0x180;
	v11 =	vld [tilespmem:s30+$0x1080]  }
0x48: {  	s1 =	sand.u32 $0x70, s14;
	s20 =	sand.u32 $0x3C00, s0;
	vm12 =	vgt.f32 v5, v6  }
0x49: {  	s31 =	sor.u32 s1, s20;
	v5 =	vadd.f32 v7, v7;
	v2 =	vsel vm12, v2, v3  }
0x4a: {  	v6 =	vld [tilespmem:s31+$0x1000];
	v3 =	vshrl.u32 v1, $0x14;
	[tilespmem:s28+$0x9080] =	vst v2;
	v2 =	vshll.u32 v0, $0x10;
	v0 =	vand.u32 $0xFFFF0000, v0  }
0x4b: {  	v7 =	vshll.u32 v4, $0x10;
	v4 =	vand.u32 $0xFFFF0000, v4;
	v8 =	vld.idx.msk [tilespmem:v8+s5+$0x0], $0xffff;
	v12 =	vadd.f32 v0, v2  }
0x4c: {  	v15 =	vld [tilespmem:s28+$0x1180];
	v14 =	vshrl.u32 v11, $0x14;
	v9 =	vadd.f32 v9, v9;
	v13 =	vadd.f32 v4, v7  }
0x4d: {  	vm13 =	vgt.f32 v5, v12  }
0x4e: {  	vm1 =	vgt.f32 v9, v13;
	v0 =	vsel vm13, v0, v2  }
0x4f: {  	v2 =	vsel vm1, v4, v7;
	v4 =	vld [tilespmem:s7+$0x1280];
	[tilespmem:s7+$0x9180] =	vst v0  }
0x50: {  	v0 =	vshrl.u32 v6, $0x14;
	[tilespmem:s30+$0x9000] =	vst v2;
	v2 =	vshll.u32 v8, $0x10;
	v5 =	vand.u32 $0xFFFF0000, v8;
	v3 =	vld.idx.msk [tilespmem:v3+s5+$0x0], $0xffff  }
0x51: {  	v8 =	vadd.f32 v10, v10;
	v10 =	vshrl.u32 v15, $0x14;
	v7 =	vld.idx.msk [tilespmem:v14+s5+$0x0], $0xffff;
	v9 =	vadd.f32 v5, v2  }
0x52: {  	v12 =	vld [tilespmem:s30+$0x1100]  }
0x53: {  	vm14 =	vgt.f32 v8, v9  }
0x54: {  	v1 =	vadd.f32 v1, v1;
	v2 =	vsel vm14, v5, v2  }
0x55: {  	v0 =	vld.idx.msk [tilespmem:v0+s5+$0x0], $0xffff;
	[tilespmem:s28+$0x9100] =	vst v2;
	v2 =	vshrl.u32 v4, $0x14;
	v5 =	vshll.u32 v3, $0x10;
	v3 =	vand.u32 $0xFFFF0000, v3  }
0x56: {  	v9 =	vld.idx.msk [tilespmem:v10+s5+$0x0], $0xffff;
	v10 =	vshll.u32 v7, $0x10;
	v7 =	vand.u32 $0xFFFF0000, v7;
	v13 =	vadd.f32 v3, v5  }
0x57: {  	s21 =	simm.s32 $0x40;
	s1 =	simm.s32 $0x200;
	v17 =	vld [tilespmem:s31+$0x1080];
	v11 =	vadd.f32 v11, v11;
	v16 =	vshrl.u32 v12, $0x14;
	v14 =	vadd.f32 v7, v10  }
0x58: {  	s3 =	sand.u32 $0x70, s21;
	s8 =	sand.u32 $0x3C00, s1;
	v8 =	vld [tilespmem:s28+$0x1200];
	vm15 =	vgt.f32 v1, v13  }
0x59: {  	s3 =	sor.u32 s3, s8;
	v6 =	vadd.f32 v6, v6;
	vm4 =	vgt.f32 v11, v14;
	v3 =	vsel vm15, v3, v5  }
0x5a: {  	v13 =	vld [tilespmem:s3+$0x1000];
	v11 =	vshll.u32 v0, $0x10;
	v7 =	vsel vm4, v7, v10;
	v0 =	vand.u32 $0xFFFF0000, v0;
	[tilespmem:s7+$0x9200] =	vst v3  }
0x5b: {  	[tilespmem:s30+$0x9080] =	vst v7;
	v3 =	vshll.u32 v9, $0x10;
	v7 =	vand.u32 $0xFFFF0000, v9;
	v10 =	vadd.f32 v0, v11;
	v2 =	vld.idx.msk [tilespmem:v2+s5+$0x0], $0xffff  }
0x5c: {  	v1 =	vadd.f32 v15, v15;
	v14 =	vld.idx.msk [tilespmem:v16+s5+$0x0], $0xffff;
	v15 =	vadd.f32 v7, v3;
	v16 =	vshrl.u32 v17, $0x14  }
0x5d: {  	v5 =	vld [tilespmem:s7+$0x1300];
	v9 =	vshrl.u32 v8, $0x14;
	vm5 =	vgt.f32 v6, v10  }
0x5e: {  	vm6 =	vgt.f32 v1, v15;
	v0 =	vsel vm5, v0, v11  }
0x5f: {  	v12 =	vadd.f32 v12, v12;
	v6 =	vld [tilespmem:s30+$0x1180];
	v3 =	vsel vm6, v7, v3;
	[tilespmem:s31+$0x9000] =	vst v0  }
0x60: {  	v4 =	vadd.f32 v4, v4;
	v7 =	vshrl.u32 v13, $0x14;
	[tilespmem:s28+$0x9180] =	vst v3;
	v3 =	vshll.u32 v2, $0x10  }
0x61: {  	v2 =	vand.u32 $0xFFFF0000, v2;
	v0 =	vshll.u32 v14, $0x10;
	v11 =	vand.u32 $0xFFFF0000, v14;
	v15 =	vld.idx.msk [tilespmem:v16+s5+$0x0], $0xffff  }
0x62: {  	v10 =	vshrl.u32 v5, $0x14;
	v9 =	vld.idx.msk [tilespmem:v9+s5+$0x0], $0xffff;
	v14 =	vadd.f32 v2, v3;
	v16 =	vadd.f32 v11, v0  }
0x63: {  	v1 =	vld [tilespmem:s28+$0x1280]  }
0x64: {  	vm7 =	vgt.f32 v4, v14;
	v4 =	vshrl.u32 v6, $0x14;
	v14 =	vld [tilespmem:s31+$0x1100];
	vm8 =	vgt.f32 v12, v16  }
0x65: {  	v2 =	vsel vm7, v2, v3;
	v0 =	vsel vm8, v11, v0  }
0x66: {  	v3 =	vld.idx.msk [tilespmem:v7+s5+$0x0], $0xffff;
	[tilespmem:s7+$0x9280] =	vst v2;
	v2 =	vadd.f32 v8, v8;
	v8 =	vadd.f32 v17, v17;
	v12 =	vshll.u32 v15, $0x10  }
0x67: {  	v15 =	vand.u32 $0xFFFF0000, v15;
	v7 =	vld.idx.msk [tilespmem:v10+s5+$0x0], $0xffff;
	v10 =	vshll.u32 v9, $0x10;
	v9 =	vand.u32 $0xFFFF0000, v9  }
0x68: {  	v11 =	vld [tilespmem:s30+$0x1200];
	[tilespmem:s30+$0x9100] =	vst v0;
	v0 =	vshrl.u32 v1, $0x14;
	v17 =	vadd.f32 v15, v12;
	v16 =	vadd.f32 v9, v10  }
0x69: {  	s13 =	simm.s32 $0x50;
	s20 =	simm.s32 $0x280;
	v18 =	vadd.f32 v5, v5;
	v13 =	vadd.f32 v13, v13;
	v4 =	vld.idx.msk [tilespmem:v4+s5+$0x0], $0xffff;
	v19 =	vshrl.u32 v14, $0x14  }
0x6a: {  	s22 =	sand.u32 $0x70, s13;
	s12 =	sand.u32 $0x3C00, s20;
	v6 =	vadd.f32 v6, v6;
	vm10 =	vgt.f32 v8, v17;
	vm9 =	vgt.f32 v2, v16  }
0x6b: {  	s8 =	sor.u32 s22, s12;
	v20 =	vld [tilespmem:s3+$0x1080];
	v21 =	vshll.u32 v3, $0x10;
	v3 =	vand.u32 $0xFFFF0000, v3;
	v2 =	vsel vm9, v9, v10  }
0x6c: {  	v5 =	vld [tilespmem:s8+$0x1000];
	v10 =	vsel vm10, v15, v12;
	v9 =	vshll.u32 v7, $0x10;
	v7 =	vand.u32 $0xFFFF0000, v7;
	[tilespmem:s28+$0x9200] =	vst v2  }
0x6d: {  	v15 =	vadd.f32 v3, v21;
	[tilespmem:s31+$0x9080] =	vst v10;
	v2 =	vadd.f32 v7, v9;
	v10 =	vld.idx.msk [tilespmem:v0+s5+$0x0], $0xffff  }
0x6e: {  	s24 =	sand.u32 $0x7, s26;
	v12 =	vshrl.u32 v11, $0x14;
	v16 =	vshll.u32 v4, $0x10;
	v4 =	vand.u32 $0xFFFF0000, v4;
	v17 =	vld.idx.msk [tilespmem:v19+s5+$0x0], $0xffff  }
0x6f: {  	s12 =	sshll.u32 s24, $0x4;
	v8 =	vld [tilespmem:s28+$0x1300];
	vm12 =	vgt.f32 v13, v15;
	vm11 =	vgt.f32 v18, v2;
	v0 =	vadd.f32 v4, v16  }
0x70: {  	s12 =	sadd.s32 $0x0, s12;
	v1 =	vadd.f32 v1, v1;
	v13 =	vld [tilespmem:s31+$0x1180];
	v3 =	vsel vm12, v3, v21;
	v2 =	vsel vm11, v7, v9  }
0x71: {  	s14 =	sor.u32 $0x380, s12;
	v7 =	vshrl.u32 v20, $0x14;
	v9 =	vld [tilespmem:s30+$0x1280];
	[tilespmem:s7+$0x9300] =	vst v2;
	vm13 =	vgt.f32 v6, v0;
	v2 =	vshrl.u32 v5, $0x14  }
0x72: {  	v0 =	vld [tilespmem:s14+$0x1000];
	v15 =	vsel vm13, v4, v16;
	v16 =	vshll.u32 v10, $0x10;
	v10 =	vand.u32 $0xFFFF0000, v10  }
0x73: {  	v4 =	vld [tilespmem:s31+$0x1200];
	[tilespmem:s30+$0x9180] =	vst v15;
	v15 =	vshll.u32 v17, $0x10;
	v18 =	vand.u32 $0xFFFF0000, v17;
	v17 =	vadd.f32 v10, v16  }
0x74: {  	v6 =	vshrl.u32 v8, $0x14;
	v19 =	vld.idx.msk [tilespmem:v12+s5+$0x0], $0xffff;
	v12 =	vadd.f32 v14, v14;
	v14 =	vadd.f32 v18, v15  }
0x75: {  	[tilespmem:s3+$0x9000] =	vst v3;
	v3 =	vadd.f32 v8, v8  }
0x76: {  	v21 =	vshrl.u32 v13, $0x14;
	v22 =	vld.idx.msk [tilespmem:v7+s5+$0x0], $0xffff;
	vm14 =	vgt.f32 v1, v17;
	vm15 =	vgt.f32 v12, v14  }
0x77: {  	v7 =	vld [tilespmem:s3+$0x1100];
	v8 =	vsel vm14, v10, v16;
	v12 =	vadd.f32 v11, v11;
	v1 =	vshrl.u32 v0, $0x14  }
0x78: {  	v17 =	vld.idx.msk [tilespmem:v2+s5+$0x0], $0xffff;
	v2 =	vadd.f32 v9, v9;
	v11 =	vadd.f32 v13, v13;
	[tilespmem:s28+$0x9280] =	vst v8  }
0x79: {  	v9 =	vshrl.u32 v9, $0x14;
	v10 =	vsel vm15, v18, v15;
	v8 =	vshrl.u32 v4, $0x14;
	v6 =	vld.idx.msk [tilespmem:v6+s5+$0x0], $0xffff  }
0x7a: {  	v18 =	vadd.f32 v20, v20;
	[tilespmem:s31+$0x9100] =	vst v10;
	v10 =	vld [tilespmem:s8+$0x1080];
	v13 =	vshll.u32 v19, $0x10;
	v14 =	vand.u32 $0xFFFF0000, v19  }
0x7b: {  	s24 =	sshll.u32 s23, $0x4;
	s12 =	simm.s32 $0x280;
	v16 =	vld.idx.msk [tilespmem:v21+s5+$0x0], $0xffff;
	v19 =	vshll.u32 v22, $0x10;
	v20 =	vand.u32 $0xFFFF0000, v22;
	v15 =	vadd.f32 v14, v13  }
.LBB2_3:
0x7c: {  	s13 =	sadd.s32 $0x10, s13;
	v21 =	vadd.f32 v5, v5;
	s20 =	sadd.s32 $0x80, s20;
	v5 =	vadd.f32 v20, v19;
	v22 =	vshrl.u32 v7, $0x14;
	v1 =	vld.idx.msk [tilespmem:v1+s5+$0x0], $0xffff  }
0x7d: {  	v23 =	vshll.u32 v17, $0x10;
	v17 =	vand.u32 $0xFFFF0000, v17;
	s7 =	sand.u32 $0x70, s13;
	s21 =	sand.u32 $0x3C00, s20;
	p1 =	slt.u32 s13, $0x7F0;
	vm0 =	vgt.f32 v12, v15  }
0x7e: {  	v12 =	vadd.f32 v17, v23;
	s7 =	sor.u32 s7, s21;
	vm1 =	vgt.f32 v18, v5;
	v13 =	vsel vm0, v14, v13;
	v14 =	vld [tilespmem:s30+$0x1300]  }
0x7f: {  	v5 =	vld [tilespmem:s7+$0x1000];
	v15 =	vsel vm1, v20, v19;
	[tilespmem:s30+$0x9200] =	vst v13;
	v13 =	vshll.u32 v6, $0x10;
	v6 =	vand.u32 $0xFFFF0000, v6  }
0x80: {  	s26 =	sadd.s32 $0x1, s26;
	[tilespmem:s3+$0x9080] =	vst v15;
	v15 =	vshll.u32 v16, $0x10;
	v16 =	vand.u32 $0xFFFF0000, v16;
	v9 =	vld.idx.msk [tilespmem:v9+s5+$0x0], $0xffff;
	v18 =	vadd.f32 v6, v13  }
0x81: {  	s21 =	sand.u32 $0x7, s26;
	vm0 =	vgt.f32 v21, v12;
	v12 =	vshrl.u32 v10, $0x14;
	v19 =	vld.idx.msk [tilespmem:v22+s5+$0x0], $0xffff;
	v20 =	vadd.f32 v16, v15  }
0x82: {  	s21 =	sshll.u32 s21, $0x4;
	vm1 =	vgt.f32 v3, v18;
	v3 =	vshll.u32 v1, $0x10;
	v1 =	vand.u32 $0xFFFF0000, v1  }
0x83: {  	s21 =	sadd.s32 s21, s25;
	s25 =	smov.u32 s29;
	s29 =	smov.u32 s0;
	v18 =	vld [tilespmem:s3+$0x1180];
	v6 =	vsel vm1, v6, v13;
	v13 =	vadd.f32 v0, v0;
	v21 =	vadd.f32 v1, v3  }
0x84: {  	s0 =	smov.u32 s1;
	s1 =	smov.u32 s12;
	s21 =	sor.u32 $0x380, s21;
	v0 =	vsel vm0, v17, v23;
	vm0 =	vgt.f32 v11, v20;
	v22 =	vshrl.u32 v14, $0x14;
	v20 =	vld [tilespmem:s31+$0x1280];
	[tilespmem:s28+$0x9300] =	vst v6  }
0x85: {  	s12 =	smov.u32 s20;
	v6 =	vshrl.u32 v5, $0x14;
	v11 =	vsel vm0, v16, v15;
	s28 =	smov.u32 s30;
	s30 =	smov.u32 s31;
	[tilespmem:s8+$0x9000] =	vst v0;
	v0 =	vld [tilespmem:s21+$0x1000];
	vm0 =	vgt.f32 v13, v21  }
0x86: {  	s31 =	smov.u32 s3;
	v13 =	vld [tilespmem:s3+$0x1200];
	[tilespmem:s30+$0x9180] =	vst v11;
	v11 =	vshll.u32 v9, $0x10;
	v9 =	vand.u32 $0xFFFF0000, v9;
	v1 =	vsel vm0, v1, v3;
	s3 =	smov.u32 s8;
	s8 =	smov.u32 s7  }
0x87: {  	v15 =	vshll.u32 v19, $0x10;
	v16 =	vand.u32 $0xFFFF0000, v19;
	v19 =	vld.idx.msk [tilespmem:v8+s5+$0x0], $0xffff;
	v3 =	vadd.f32 v9, v11;
	[tilespmem:s14+$0x9000] =	vst v1;
	s14 =	smov.u32 s21  }
0x88: {  	v1 =	vadd.f32 v7, v7;
	v8 =	vadd.f32 v16, v15;
	v21 =	vld.idx.msk [tilespmem:v12+s5+$0x0], $0xffff;
	v23 =	vshrl.u32 v18, $0x14  }
0x89: {  	v7 =	vld [tilespmem:s3+$0x1100];
	vm0 =	vgt.f32 v2, v3;
	v3 =	vadd.f32 v14, v14  }
.Ltmp2:
0x8a: {  	vm1 =	vgt.f32 v1, v8;
	v17 =	vld.idx.msk [tilespmem:v6+s5+$0x0], $0xffff;
	v6 =	vsel vm0, v9, v11;
	v1 =	vshrl.u32 v0, $0x14;
	(pc) =	sbr.rel @p1 .LBB2_3-.Ltmp2, $4  }
0x8b: {  	v12 =	vadd.f32 v4, v4;
	v2 =	vadd.f32 v20, v20;
	v8 =	vsel vm1, v16, v15;
	[tilespmem:s28+$0x9280] =	vst v6  }
0x8c: {  	v11 =	vadd.f32 v18, v18;
	v9 =	vshrl.u32 v20, $0x14;
	v4 =	vmovc v13;
	[tilespmem:s31+$0x9100] =	vst v8;
	v8 =	vshrl.u32 v13, $0x14;
	v6 =	vld.idx.msk [tilespmem:v22+s5+$0x0], $0xffff  }
0x8d: {  	v18 =	vadd.f32 v10, v10;
	v13 =	vshll.u32 v19, $0x10;
	v14 =	vand.u32 $0xFFFF0000, v19;
	v16 =	vld.idx.msk [tilespmem:v23+s5+$0x0], $0xffff  }
0x8e: {  	v19 =	vshll.u32 v21, $0x10;
	v20 =	vand.u32 $0xFFFF0000, v21;
	v15 =	vadd.f32 v14, v13;
	v10 =	vld [tilespmem:s8+$0x1080]  }
0x8f: {  	_ =	sdelay $0x2  }
0x90: {  	v21 =	vshll.u32 v17, $0x10;
	v17 =	vand.u32 $0xFFFF0000, v17  }
0x91: {  	v5 =	vadd.f32 v5, v5;
	v22 =	vadd.f32 v17, v21;
	v23 =	vshrl.u32 v10, $0x14;
	_ =	sdelay $0x1  }
0x92: {  	vm0 =	vgt.f32 v5, v22  }
0x93: {  	v5 =	vsel vm0, v17, v21  }
0x94: {  	[tilespmem:s8+$0x9000] =	vst v5  }
0x95: {  	v5 =	vld.idx.msk [tilespmem:v23+s5+$0x0], $0xffff  }
0x96: {  	v17 =	vld [tilespmem:s8+$0x1100];
	_ =	sdelay $0x1  }
0x97: {  	v21 =	vadd.f32 v20, v19  }
0x98: {  	v22 =	vshrl.u32 v7, $0x14  }
0x99: {  	vm6 =	vgt.f32 v18, v21;
	v18 =	vshll.u32 v5, $0x10;
	v5 =	vand.u32 $0xFFFF0000, v5  }
0x9a: {  	v10 =	vadd.f32 v10, v10;
	v23 =	vshrl.u32 v17, $0x14;
	v21 =	vadd.f32 v5, v18  }
0x9b: {  	v19 =	vsel vm6, v20, v19  }
0x9c: {  	[tilespmem:s3+$0x9080] =	vst v19;
	vm7 =	vgt.f32 v10, v21  }
0x9d: {  	v10 =	vld.idx.msk [tilespmem:v22+s5+$0x0], $0xffff;
	v5 =	vsel vm7, v5, v18  }
0x9e: {  	v18 =	vld [tilespmem:s3+$0x1180];
	[tilespmem:s8+$0x9080] =	vst v5  }
0x9f: {  	v5 =	vld.idx.msk [tilespmem:v23+s5+$0x0], $0xffff  }
0xa0: {  	v19 =	vld [tilespmem:s8+$0x1180];
	_ =	sdelay $0x1  }
0xa1: {  	v20 =	vshll.u32 v10, $0x10;
	v10 =	vand.u32 $0xFFFF0000, v10  }
0xa2: {  	v7 =	vadd.f32 v7, v7;
	v21 =	vadd.f32 v10, v20  }
0xa3: {  	v22 =	vshrl.u32 v18, $0x14;
	v23 =	vshll.u32 v5, $0x10;
	v5 =	vand.u32 $0xFFFF0000, v5  }
0xa4: {  	v17 =	vadd.f32 v17, v17;
	v25 =	vshrl.u32 v19, $0x14;
	v24 =	vadd.f32 v5, v23  }
0xa5: {  	vm8 =	vgt.f32 v7, v21  }
0xa6: {  	v7 =	vsel vm8, v10, v20;
	vm9 =	vgt.f32 v17, v24  }
0xa7: {  	v10 =	vld [tilespmem:s3+$0x1200];
	[tilespmem:s3+$0x9100] =	vst v7;
	v5 =	vsel vm9, v5, v23  }
0xa8: {  	v17 =	vshll.u32 v16, $0x10;
	v16 =	vand.u32 $0xFFFF0000, v16;
	v20 =	vld.idx.msk [tilespmem:v22+s5+$0x0], $0xffff;
	[tilespmem:s8+$0x9100] =	vst v5  }
0xa9: {  	v5 =	vadd.f32 v16, v17;
	v21 =	vld.idx.msk [tilespmem:v25+s5+$0x0], $0xffff  }
0xaa: {  	v7 =	vld [tilespmem:s8+$0x1200]  }
0xab: {  	vm10 =	vgt.f32 v11, v5  }
0xac: {  	v11 =	vsel vm10, v16, v17;
	v16 =	vadd.f32 v18, v18  }
0xad: {  	v17 =	vshll.u32 v20, $0x10;
	v18 =	vand.u32 $0xFFFF0000, v20;
	[tilespmem:s31+$0x9180] =	vst v11;
	v11 =	vshrl.u32 v10, $0x14  }
0xae: {  	v20 =	vadd.f32 v18, v17;
	v8 =	vld.idx.msk [tilespmem:v8+s5+$0x0], $0xffff;
	v22 =	vshll.u32 v21, $0x10;
	v21 =	vand.u32 $0xFFFF0000, v21  }
0xaf: {  	v19 =	vadd.f32 v19, v19;
	v5 =	vld [tilespmem:s31+$0x1280];
	v23 =	vshrl.u32 v7, $0x14;
	v63 =	vadd.f32 v21, v22  }
0xb0: {  	vm11 =	vgt.f32 v16, v20  }
0xb1: {  	v16 =	vsel vm11, v18, v17;
	vm12 =	vgt.f32 v19, v63  }
0xb2: {  	v17 =	vld [tilespmem:s3+$0x1280];
	[tilespmem:s3+$0x9180] =	vst v16;
	v18 =	vsel vm12, v21, v22  }
0xb3: {  	v11 =	vld.idx.msk [tilespmem:v11+s5+$0x0], $0xffff;
	v19 =	vshll.u32 v8, $0x10;
	v8 =	vand.u32 $0xFFFF0000, v8;
	[tilespmem:s8+$0x9180] =	vst v18  }
0xb4: {  	v4 =	vadd.f32 v4, v4;
	v18 =	vshrl.u32 v5, $0x14;
	v20 =	vadd.f32 v8, v19;
	v21 =	vld.idx.msk [tilespmem:v23+s5+$0x0], $0xffff  }
0xb5: {  	vm13 =	vgt.f32 v12, v15;
	v16 =	vld [tilespmem:s8+$0x1280]  }
0xb6: {  	v12 =	vsel vm13, v14, v13;
	vm14 =	vgt.f32 v4, v20  }
0xb7: {  	[tilespmem:s30+$0x9200] =	vst v12;
	v10 =	vadd.f32 v10, v10;
	v4 =	vsel vm14, v8, v19  }
0xb8: {  	v9 =	vld.idx.msk [tilespmem:v9+s5+$0x0], $0xffff;
	v12 =	vshll.u32 v11, $0x10;
	v11 =	vand.u32 $0xFFFF0000, v11;
	[tilespmem:s31+$0x9200] =	vst v4;
	v4 =	vshrl.u32 v17, $0x14  }
0xb9: {  	v15 =	vadd.f32 v11, v12;
	v14 =	vld.idx.msk [tilespmem:v18+s5+$0x0], $0xffff;
	v18 =	vshll.u32 v21, $0x10;
	v19 =	vand.u32 $0xFFFF0000, v21  }
0xba: {  	v13 =	vld [tilespmem:s30+$0x1300];
	v7 =	vadd.f32 v7, v7;
	v20 =	vshrl.u32 v16, $0x14;
	v21 =	vadd.f32 v19, v18  }
0xbb: {  	v8 =	vld [tilespmem:s31+$0x1300];
	vm15 =	vgt.f32 v10, v15  }
0xbc: {  	v10 =	vsel vm15, v11, v12;
	vm4 =	vgt.f32 v7, v21  }
0xbd: {  	v5 =	vadd.f32 v5, v5;
	v11 =	vld [tilespmem:s3+$0x1300];
	[tilespmem:s3+$0x9200] =	vst v10;
	v7 =	vshll.u32 v9, $0x10;
	v10 =	vsel vm4, v19, v18  }
0xbe: {  	v9 =	vand.u32 $0xFFFF0000, v9;
	v4 =	vld.idx.msk [tilespmem:v4+s5+$0x0], $0xffff;
	v18 =	vshll.u32 v14, $0x10;
	v14 =	vand.u32 $0xFFFF0000, v14;
	[tilespmem:s8+$0x9200] =	vst v10  }
0xbf: {  	v15 =	vadd.f32 v9, v7;
	v10 =	vshrl.u32 v13, $0x14;
	v19 =	vadd.f32 v14, v18;
	v20 =	vld.idx.msk [tilespmem:v20+s5+$0x0], $0xffff  }
0xc0: {  	v16 =	vadd.f32 v16, v16;
	v12 =	vld [tilespmem:s8+$0x1300];
	v22 =	vshrl.u32 v8, $0x14  }
0xc1: {  	v21 =	vshll.u32 v6, $0x10;
	vm5 =	vgt.f32 v2, v15;
	vm1 =	vgt.f32 v5, v19  }
0xc2: {  	v2 =	vsel vm5, v9, v7;
	v7 =	vadd.f32 v17, v17;
	v5 =	vsel vm1, v14, v18  }
0xc3: {  	[tilespmem:s30+$0x9280] =	vst v2;
	v2 =	vshrl.u32 v11, $0x14;
	v9 =	vshll.u32 v4, $0x10;
	v4 =	vand.u32 $0xFFFF0000, v4  }
0xc4: {  	[tilespmem:s31+$0x9280] =	vst v5;
	v5 =	vadd.f32 v4, v9;
	v10 =	vld.idx.msk [tilespmem:v10+s5+$0x0], $0xffff;
	v14 =	vshll.u32 v20, $0x10;
	v15 =	vand.u32 $0xFFFF0000, v20  }
0xc5: {  	v6 =	vand.u32 $0xFFFF0000, v6;
	v18 =	vshrl.u32 v12, $0x14;
	v17 =	vld.idx.msk [tilespmem:v22+s5+$0x0], $0xffff;
	v19 =	vadd.f32 v15, v14  }
0xc6: {  	v20 =	vadd.f32 v6, v21;
	vm6 =	vgt.f32 v7, v5  }
0xc7: {  	v4 =	vsel vm6, v4, v9;
	vm7 =	vgt.f32 v16, v19  }
0xc8: {  	s7 =	sadd.s32 $0x1, s26;
	vm8 =	vgt.f32 v3, v20;
	[tilespmem:s3+$0x9280] =	vst v4;
	v3 =	vsel vm7, v15, v14  }
0xc9: {  	s13 =	sand.u32 $0x7, s7;
	v4 =	vadd.f32 v13, v13;
	v2 =	vld.idx.msk [tilespmem:v2+s5+$0x0], $0xffff;
	v5 =	vshll.u32 v10, $0x10;
	v7 =	vand.u32 $0xFFFF0000, v10;
	[tilespmem:s8+$0x9280] =	vst v3  }
0xca: {  	s20 =	sadd.s32 $0x1, s7;
	s13 =	sshll.u32 s13, $0x4;
	v9 =	vshll.u32 v17, $0x10;
	v10 =	vand.u32 $0xFFFF0000, v17;
	v3 =	vadd.f32 v7, v5;
	v13 =	vld.idx.msk [tilespmem:v18+s5+$0x0], $0xffff  }
0xcb: {  	s22 =	sadd.s32 s13, s25;
	s25 =	sand.u32 $0x7, s20;
	v8 =	vadd.f32 v8, v8;
	v6 =	vsel vm8, v6, v21;
	v14 =	vadd.f32 v10, v9  }
0xcc: {  	s7 =	sor.u32 $0x380, s22;
	s13 =	sshll.u32 s25, $0x4;
	[tilespmem:s28+$0x9300] =	vst v6;
	vm9 =	vgt.f32 v4, v3  }
0xcd: {  	s20 =	sadd.s32 $0x1, s20;
	s13 =	sadd.s32 s13, s29;
	v3 =	vld [tilespmem:s7+$0x1000];
	vm10 =	vgt.f32 v8, v14;
	v4 =	vsel vm9, v7, v5  }
0xce: {  	s21 =	sand.u32 $0x7, s20;
	s13 =	sor.u32 $0x380, s13;
	v5 =	vshll.u32 v2, $0x10;
	v2 =	vand.u32 $0xFFFF0000, v2;
	[tilespmem:s30+$0x9300] =	vst v4;
	v4 =	vadd.f32 v11, v11  }
0xcf: {  	s20 =	sadd.s32 $0x1, s20;
	s21 =	sshll.u32 s21, $0x4;
	v7 =	vadd.f32 v2, v5;
	v6 =	vld [tilespmem:s13+$0x1000];
	v8 =	vshll.u32 v13, $0x10;
	v11 =	vand.u32 $0xFFFF0000, v13  }
0xd0: {  	s26 =	sand.u32 $0x7, s20;
	s20 =	sadd.s32 $0x1, s20;
	s0 =	sadd.s32 s21, s0;
	v9 =	vsel vm10, v10, v9;
	v10 =	vadd.f32 v12, v12;
	v12 =	vadd.f32 v11, v8  }
0xd1: {  	s21 =	sshll.u32 s26, $0x4;
	s20 =	sand.u32 $0x7, s20;
	s0 =	sor.u32 $0x380, s0;
	[tilespmem:s31+$0x9300] =	vst v9;
	vm11 =	vgt.f32 v4, v7  }
0xd2: {  	s1 =	sadd.s32 s21, s1;
	s20 =	sshll.u32 s20, $0x4;
	v7 =	vld [tilespmem:s0+$0x1000];
	v4 =	vshrl.u32 v3, $0x14;
	v2 =	vsel vm11, v2, v5;
	vm12 =	vgt.f32 v10, v12  }
0xd3: {  	s1 =	sor.u32 $0x380, s1;
	s20 =	sadd.s32 s20, s12;
	[tilespmem:s3+$0x9300] =	vst v2;
	v2 =	vsel vm12, v11, v8  }
0xd4: {  	s3 =	sor.u32 $0x380, s20;
	v5 =	vshrl.u32 v6, $0x14;
	v8 =	vld [tilespmem:s1+$0x1000];
	[tilespmem:s8+$0x9300] =	vst v2  }
0xd5: {  	v2 =	vld [tilespmem:s3+$0x1000]  }
0xd6: {  	v1 =	vld.idx.msk [tilespmem:v1+s5+$0x0], $0xffff  }
0xd7: {  	v9 =	vshrl.u32 v7, $0x14;
	v4 =	vld.idx.msk [tilespmem:v4+s5+$0x0], $0xffff;
	_ =	sdelay $0x1  }
0xd8: {  	v5 =	vld.idx.msk [tilespmem:v5+s5+$0x0], $0xffff;
	v10 =	vshrl.u32 v8, $0x14  }
0xd9: {  	v11 =	vshrl.u32 v2, $0x14  }
0xda: {  	v0 =	vadd.f32 v0, v0;
	v12 =	vshll.u32 v1, $0x10;
	v1 =	vand.u32 $0xFFFF0000, v1  }
0xdb: {  	v13 =	vadd.f32 v1, v12;
	v9 =	vld.idx.msk [tilespmem:v9+s5+$0x0], $0xffff;
	v14 =	vshll.u32 v4, $0x10;
	v4 =	vand.u32 $0xFFFF0000, v4  }
0xdc: {  	v3 =	vadd.f32 v3, v3;
	v15 =	vadd.f32 v4, v14  }
0xdd: {  	vm13 =	vgt.f32 v0, v13;
	v0 =	vshll.u32 v5, $0x10;
	v5 =	vand.u32 $0xFFFF0000, v5;
	v10 =	vld.idx.msk [tilespmem:v10+s5+$0x0], $0xffff  }
0xde: {  	vm14 =	vgt.f32 v3, v15;
	v3 =	vadd.f32 v6, v6;
	v6 =	vadd.f32 v5, v0;
	v11 =	vld.idx.msk [tilespmem:v11+s5+$0x0], $0xffff  }
0xdf: {  	v1 =	vsel vm13, v1, v12;
	v8 =	vadd.f32 v8, v8  }
0xe0: {  	v4 =	vsel vm14, v4, v14;
	vm15 =	vgt.f32 v3, v6;
	v3 =	vshll.u32 v9, $0x10  }
0xe1: {  	v6 =	vand.u32 $0xFFFF0000, v9;
	v0 =	vsel vm15, v5, v0;
	v5 =	vadd.f32 v7, v7  }
0xe2: {  	v7 =	vadd.f32 v6, v3;
	v9 =	vshll.u32 v10, $0x10;
	v10 =	vand.u32 $0xFFFF0000, v10  }
0xe3: {  	[tilespmem:s14+$0x9000] =	vst v1;
	v1 =	vadd.f32 v10, v9;
	v12 =	vshll.u32 v11, $0x10;
	v11 =	vand.u32 $0xFFFF0000, v11  }
0xe4: {  	v2 =	vadd.f32 v2, v2;
	[tilespmem:s7+$0x9000] =	vst v4;
	vm4 =	vgt.f32 v5, v7;
	v4 =	vadd.f32 v11, v12  }
0xe5: {  	[tilespmem:s13+$0x9000] =	vst v0;
	v0 =	vsel vm4, v6, v3;
	vm5 =	vgt.f32 v8, v1  }
0xe6: {  	[tilespmem:s0+$0x9000] =	vst v0;
	v0 =	vsel vm5, v10, v9;
	vm6 =	vgt.f32 v2, v4  }
0xe7: {  	s21 =	sshll.u32 s23, $0xC;
	[tilespmem:s1+$0x9000] =	vst v0;
	v0 =	vsel vm6, v11, v12  }
0xe8: {  	p1 =	seq.s32 s23, $0x1F;
	s0 =	sadd.s32 s21, s9;
	[tilespmem:s3+$0x9000] =	vst v0  }
0xe9: {  	[hbm4b:s0+s5] =	stream.linear.scatter [tilespmem:s17], [sflag:$0x3], $0x4000, $0x38;
	[tilespmem:$0x11000] =	vst v63  }
0xea: {  	s0 =	sadd.s32 @!p1 s24, s10  }
0xeb: {  	s0 =	sshll.u32 @!p1 s0, $0x8  }
0xec: {  	s1 =	simm.s32 @!p1 $0x0;
	s3 =	simm.s32 @!p1 $0x1000;
	s0 =	sadd.s32 @!p1 s2, s0  }
0xed: {  	[tilespmem:s3], [sflag:$0x1] =	stream.linear.gather @!p1 [hbm4b:s0+s1], $0x4000, $0x38;
	[tilespmem:$0x11000] =	vst v63  }
0xee: {  	_ =	swait.ge [sflag:s18], $0x4000  }
0xef: {  	[sflag:s18] =	ssyncset.done $0x0  }
0xf0: {  	s0 =	simm.s32 @!p0 $0x4;
	[sflag:s18] =	ssyncadd.s32 $0xFFFFC000  }
0xf1: {  	s22 =	simm.s32 $0x0;
	s26 =	simm.s32 $0x0;
	_ =	swait.ge @!p0 [sflag:s0], $0x4000  }
0xf2: {  	s25 =	sand.u32 $0x3C00, s26;
	s1 =	sand.u32 $0x70, s22;
	[sflag:s0] =	ssyncset.done @!p0 $0x0  }
0xf3: {  	s7 =	sor.u32 s1, s25;
	[sflag:s0] =	ssyncadd.s32 @!p0 $0xFFFFC000  }
0xf4: {  	v0 =	vld [tilespmem:s7+$0x5000];
	_ =	sdelay $0x4  }
0xf5: {  	v1 =	vshrl.u32 v0, $0x14;
	_ =	sdelay $0x4  }
0xf6: {  	v1 =	vld.idx.msk [tilespmem:v1+s5+$0x0], $0xffff  }
0xf7: {  	v2 =	vld [tilespmem:s7+$0x5080];
	_ =	sdelay $0x2  }
0xf8: {  	s3 =	simm.s32 $0x10;
	s25 =	simm.s32 $0x80  }
0xf9: {  	s8 =	sand.u32 $0x3C00, s25;
	s0 =	sand.u32 $0x70, s3;
	v3 =	vshll.u32 v1, $0x10;
	v1 =	vand.u32 $0xFFFF0000, v1  }
0xfa: {  	s28 =	sor.u32 s0, s8;
	v0 =	vadd.f32 v0, v0;
	v5 =	vshrl.u32 v2, $0x14;
	v4 =	vadd.f32 v1, v3  }
0xfb: {  	v6 =	vld [tilespmem:s28+$0x5000]  }
0xfc: {  	vm7 =	vgt.f32 v0, v4  }
0xfd: {  	v0 =	vsel vm7, v1, v3  }
0xfe: {  	[tilespmem:s7+$0xD000] =	vst v0  }
0xff: {  	v0 =	vld.idx.msk [tilespmem:v5+s5+$0x0], $0xffff  }
0x100: {  	v1 =	vshrl.u32 v6, $0x14;
	v3 =	vld [tilespmem:s7+$0x5100];
	_ =	sdelay $0x3  }
0x101: {  	v4 =	vshll.u32 v0, $0x10;
	v0 =	vand.u32 $0xFFFF0000, v0  }
0x102: {  	v2 =	vadd.f32 v2, v2;
	v1 =	vld.idx.msk [tilespmem:v1+s5+$0x0], $0xffff;
	v7 =	vshrl.u32 v3, $0x14;
	v5 =	vadd.f32 v0, v4  }
0x103: {  	v8 =	vld [tilespmem:s28+$0x5080]  }
0x104: {  	vm8 =	vgt.f32 v2, v5  }
0x105: {  	v0 =	vsel vm8, v0, v4  }
0x106: {  	s29 =	simm.s32 $0x100;
	s12 =	simm.s32 $0x20;
	[tilespmem:s7+$0xD080] =	vst v0  }
0x107: {  	s13 =	sand.u32 $0x3C00, s29;
	s0 =	sand.u32 $0x70, s12;
	v0 =	vshll.u32 v1, $0x10;
	v1 =	vand.u32 $0xFFFF0000, v1;
	v2 =	vld.idx.msk [tilespmem:v7+s5+$0x0], $0xffff  }
0x108: {  	s30 =	sor.u32 s0, s13;
	v4 =	vadd.f32 v6, v6;
	v6 =	vshrl.u32 v8, $0x14;
	v5 =	vadd.f32 v1, v0;
	v7 =	vld [tilespmem:s7+$0x5180]  }
0x109: {  	v9 =	vld [tilespmem:s30+$0x5000]  }
0x10a: {  	vm9 =	vgt.f32 v4, v5  }
0x10b: {  	v0 =	vsel vm9, v1, v0  }
0x10c: {  	[tilespmem:s28+$0xD000] =	vst v0;
	v0 =	vshll.u32 v2, $0x10;
	v1 =	vand.u32 $0xFFFF0000, v2  }
0x10d: {  	v3 =	vadd.f32 v3, v3;
	v2 =	vld.idx.msk [tilespmem:v6+s5+$0x0], $0xffff;
	v5 =	vshrl.u32 v7, $0x14;
	v4 =	vadd.f32 v1, v0  }
0x10e: {  	v10 =	vld [tilespmem:s28+$0x5100];
	v6 =	vshrl.u32 v9, $0x14  }
0x10f: {  	vm10 =	vgt.f32 v3, v4  }
0x110: {  	v0 =	vsel vm10, v1, v0  }
0x111: {  	v1 =	vld [tilespmem:s7+$0x5200];
	[tilespmem:s7+$0xD100] =	vst v0  }
0x112: {  	v3 =	vshll.u32 v2, $0x10;
	v2 =	vand.u32 $0xFFFF0000, v2;
	v0 =	vld.idx.msk [tilespmem:v5+s5+$0x0], $0xffff  }
0x113: {  	v4 =	vld.idx.msk [tilespmem:v6+s5+$0x0], $0xffff;
	v5 =	vadd.f32 v8, v8;
	v6 =	vadd.f32 v2, v3;
	v8 =	vshrl.u32 v10, $0x14  }
0x114: {  	s14 =	simm.s32 $0x30;
	s0 =	simm.s32 $0x180;
	v11 =	vld [tilespmem:s30+$0x5080]  }
0x115: {  	s1 =	sand.u32 $0x70, s14;
	s20 =	sand.u32 $0x3C00, s0;
	vm11 =	vgt.f32 v5, v6  }
0x116: {  	s31 =	sor.u32 s1, s20;
	v5 =	vadd.f32 v7, v7;
	v2 =	vsel vm11, v2, v3  }
0x117: {  	v6 =	vld [tilespmem:s31+$0x5000];
	v3 =	vshrl.u32 v1, $0x14;
	[tilespmem:s28+$0xD080] =	vst v2;
	v2 =	vshll.u32 v0, $0x10;
	v0 =	vand.u32 $0xFFFF0000, v0  }
0x118: {  	v7 =	vshll.u32 v4, $0x10;
	v4 =	vand.u32 $0xFFFF0000, v4;
	v8 =	vld.idx.msk [tilespmem:v8+s5+$0x0], $0xffff;
	v12 =	vadd.f32 v0, v2  }
0x119: {  	v15 =	vld [tilespmem:s28+$0x5180];
	v14 =	vshrl.u32 v11, $0x14;
	v9 =	vadd.f32 v9, v9;
	v13 =	vadd.f32 v4, v7  }
0x11a: {  	vm12 =	vgt.f32 v5, v12  }
0x11b: {  	vm13 =	vgt.f32 v9, v13;
	v0 =	vsel vm12, v0, v2  }
0x11c: {  	v2 =	vsel vm13, v4, v7;
	v4 =	vld [tilespmem:s7+$0x5280];
	[tilespmem:s7+$0xD180] =	vst v0  }
0x11d: {  	v0 =	vshrl.u32 v6, $0x14;
	[tilespmem:s30+$0xD000] =	vst v2;
	v2 =	vshll.u32 v8, $0x10;
	v5 =	vand.u32 $0xFFFF0000, v8;
	v3 =	vld.idx.msk [tilespmem:v3+s5+$0x0], $0xffff  }
0x11e: {  	v8 =	vadd.f32 v10, v10;
	v10 =	vshrl.u32 v15, $0x14;
	v7 =	vld.idx.msk [tilespmem:v14+s5+$0x0], $0xffff;
	v9 =	vadd.f32 v5, v2  }
0x11f: {  	v12 =	vld [tilespmem:s30+$0x5100]  }
0x120: {  	vm14 =	vgt.f32 v8, v9  }
0x121: {  	v1 =	vadd.f32 v1, v1;
	v2 =	vsel vm14, v5, v2  }
0x122: {  	v0 =	vld.idx.msk [tilespmem:v0+s5+$0x0], $0xffff;
	[tilespmem:s28+$0xD100] =	vst v2;
	v2 =	vshrl.u32 v4, $0x14;
	v5 =	vshll.u32 v3, $0x10;
	v3 =	vand.u32 $0xFFFF0000, v3  }
0x123: {  	v9 =	vld.idx.msk [tilespmem:v10+s5+$0x0], $0xffff;
	v10 =	vshll.u32 v7, $0x10;
	v7 =	vand.u32 $0xFFFF0000, v7;
	v13 =	vadd.f32 v3, v5  }
0x124: {  	s21 =	simm.s32 $0x40;
	s1 =	simm.s32 $0x200;
	v17 =	vld [tilespmem:s31+$0x5080];
	v11 =	vadd.f32 v11, v11;
	v16 =	vshrl.u32 v12, $0x14;
	v14 =	vadd.f32 v7, v10  }
0x125: {  	s3 =	sand.u32 $0x70, s21;
	s22 =	sand.u32 $0x3C00, s1;
	v8 =	vld [tilespmem:s28+$0x5200];
	vm15 =	vgt.f32 v1, v13  }
0x126: {  	s3 =	sor.u32 s3, s22;
	v6 =	vadd.f32 v6, v6;
	vm4 =	vgt.f32 v11, v14;
	v3 =	vsel vm15, v3, v5  }
0x127: {  	v13 =	vld [tilespmem:s3+$0x5000];
	v11 =	vshll.u32 v0, $0x10;
	v7 =	vsel vm4, v7, v10;
	v0 =	vand.u32 $0xFFFF0000, v0;
	[tilespmem:s7+$0xD200] =	vst v3  }
0x128: {  	[tilespmem:s30+$0xD080] =	vst v7;
	v3 =	vshll.u32 v9, $0x10;
	v7 =	vand.u32 $0xFFFF0000, v9;
	v10 =	vadd.f32 v0, v11;
	v2 =	vld.idx.msk [tilespmem:v2+s5+$0x0], $0xffff  }
0x129: {  	v1 =	vadd.f32 v15, v15;
	v14 =	vld.idx.msk [tilespmem:v16+s5+$0x0], $0xffff;
	v15 =	vadd.f32 v7, v3;
	v16 =	vshrl.u32 v17, $0x14  }
0x12a: {  	v5 =	vld [tilespmem:s7+$0x5300];
	v9 =	vshrl.u32 v8, $0x14;
	vm5 =	vgt.f32 v6, v10  }
0x12b: {  	vm6 =	vgt.f32 v1, v15;
	v0 =	vsel vm5, v0, v11  }
0x12c: {  	v12 =	vadd.f32 v12, v12;
	v6 =	vld [tilespmem:s30+$0x5180];
	v3 =	vsel vm6, v7, v3;
	[tilespmem:s31+$0xD000] =	vst v0  }
0x12d: {  	v4 =	vadd.f32 v4, v4;
	v7 =	vshrl.u32 v13, $0x14;
	[tilespmem:s28+$0xD180] =	vst v3;
	v3 =	vshll.u32 v2, $0x10  }
0x12e: {  	v2 =	vand.u32 $0xFFFF0000, v2;
	v0 =	vshll.u32 v14, $0x10;
	v11 =	vand.u32 $0xFFFF0000, v14;
	v15 =	vld.idx.msk [tilespmem:v16+s5+$0x0], $0xffff  }
0x12f: {  	v10 =	vshrl.u32 v5, $0x14;
	v9 =	vld.idx.msk [tilespmem:v9+s5+$0x0], $0xffff;
	v14 =	vadd.f32 v2, v3;
	v16 =	vadd.f32 v11, v0  }
0x130: {  	v1 =	vld [tilespmem:s28+$0x5280]  }
0x131: {  	vm7 =	vgt.f32 v4, v14;
	v4 =	vshrl.u32 v6, $0x14;
	v14 =	vld [tilespmem:s31+$0x5100];
	vm8 =	vgt.f32 v12, v16  }
0x132: {  	v2 =	vsel vm7, v2, v3;
	v0 =	vsel vm8, v11, v0  }
0x133: {  	v3 =	vld.idx.msk [tilespmem:v7+s5+$0x0], $0xffff;
	[tilespmem:s7+$0xD280] =	vst v2;
	v2 =	vadd.f32 v8, v8;
	v8 =	vadd.f32 v17, v17;
	v12 =	vshll.u32 v15, $0x10  }
0x134: {  	v15 =	vand.u32 $0xFFFF0000, v15;
	v7 =	vld.idx.msk [tilespmem:v10+s5+$0x0], $0xffff;
	v10 =	vshll.u32 v9, $0x10;
	v9 =	vand.u32 $0xFFFF0000, v9  }
0x135: {  	v11 =	vld [tilespmem:s30+$0x5200];
	[tilespmem:s30+$0xD100] =	vst v0;
	v0 =	vshrl.u32 v1, $0x14;
	v17 =	vadd.f32 v15, v12;
	v16 =	vadd.f32 v9, v10  }
0x136: {  	s13 =	simm.s32 $0x50;
	s20 =	simm.s32 $0x280;
	v18 =	vadd.f32 v5, v5;
	v13 =	vadd.f32 v13, v13;
	v4 =	vld.idx.msk [tilespmem:v4+s5+$0x0], $0xffff;
	v19 =	vshrl.u32 v14, $0x14  }
0x137: {  	s12 =	sand.u32 $0x70, s13;
	s14 =	sand.u32 $0x3C00, s20;
	v6 =	vadd.f32 v6, v6;
	vm10 =	vgt.f32 v8, v17;
	vm9 =	vgt.f32 v2, v16  }
0x138: {  	s8 =	sor.u32 s12, s14;
	v20 =	vld [tilespmem:s3+$0x5080];
	v21 =	vshll.u32 v3, $0x10;
	v3 =	vand.u32 $0xFFFF0000, v3;
	v2 =	vsel vm9, v9, v10  }
0x139: {  	v5 =	vld [tilespmem:s8+$0x5000];
	v10 =	vsel vm10, v15, v12;
	v9 =	vshll.u32 v7, $0x10;
	v7 =	vand.u32 $0xFFFF0000, v7;
	[tilespmem:s28+$0xD200] =	vst v2  }
0x13a: {  	v15 =	vadd.f32 v3, v21;
	[tilespmem:s31+$0xD080] =	vst v10;
	v2 =	vadd.f32 v7, v9;
	v10 =	vld.idx.msk [tilespmem:v0+s5+$0x0], $0xffff  }
0x13b: {  	s21 =	sand.u32 $0x7, s26;
	v12 =	vshrl.u32 v11, $0x14;
	v16 =	vshll.u32 v4, $0x10;
	v4 =	vand.u32 $0xFFFF0000, v4;
	v17 =	vld.idx.msk [tilespmem:v19+s5+$0x0], $0xffff  }
0x13c: {  	s12 =	sshll.u32 s21, $0x4;
	v8 =	vld [tilespmem:s28+$0x5300];
	vm12 =	vgt.f32 v13, v15;
	vm11 =	vgt.f32 v18, v2;
	v0 =	vadd.f32 v4, v16  }
0x13d: {  	s12 =	sadd.s32 $0x0, s12;
	v1 =	vadd.f32 v1, v1;
	v13 =	vld [tilespmem:s31+$0x5180];
	v3 =	vsel vm12, v3, v21;
	v2 =	vsel vm11, v7, v9  }
0x13e: {  	s14 =	sor.u32 $0x380, s12;
	v7 =	vshrl.u32 v20, $0x14;
	v9 =	vld [tilespmem:s30+$0x5280];
	[tilespmem:s7+$0xD300] =	vst v2;
	vm13 =	vgt.f32 v6, v0;
	v2 =	vshrl.u32 v5, $0x14  }
0x13f: {  	v0 =	vld [tilespmem:s14+$0x5000];
	v15 =	vsel vm13, v4, v16;
	v16 =	vshll.u32 v10, $0x10;
	v10 =	vand.u32 $0xFFFF0000, v10  }
0x140: {  	v4 =	vld [tilespmem:s31+$0x5200];
	[tilespmem:s30+$0xD180] =	vst v15;
	v15 =	vshll.u32 v17, $0x10;
	v18 =	vand.u32 $0xFFFF0000, v17;
	v17 =	vadd.f32 v10, v16  }
0x141: {  	v6 =	vshrl.u32 v8, $0x14;
	v19 =	vld.idx.msk [tilespmem:v12+s5+$0x0], $0xffff;
	v12 =	vadd.f32 v14, v14;
	v14 =	vadd.f32 v18, v15  }
0x142: {  	[tilespmem:s3+$0xD000] =	vst v3;
	v3 =	vadd.f32 v8, v8  }
0x143: {  	v21 =	vshrl.u32 v13, $0x14;
	v22 =	vld.idx.msk [tilespmem:v7+s5+$0x0], $0xffff;
	vm14 =	vgt.f32 v1, v17;
	vm15 =	vgt.f32 v12, v14  }
0x144: {  	v7 =	vld [tilespmem:s3+$0x5100];
	v8 =	vsel vm14, v10, v16;
	v12 =	vadd.f32 v11, v11;
	v1 =	vshrl.u32 v0, $0x14  }
0x145: {  	v17 =	vld.idx.msk [tilespmem:v2+s5+$0x0], $0xffff;
	v2 =	vadd.f32 v9, v9;
	v11 =	vadd.f32 v13, v13;
	[tilespmem:s28+$0xD280] =	vst v8  }
0x146: {  	v9 =	vshrl.u32 v9, $0x14;
	v10 =	vsel vm15, v18, v15;
	v8 =	vshrl.u32 v4, $0x14;
	v6 =	vld.idx.msk [tilespmem:v6+s5+$0x0], $0xffff  }
0x147: {  	s22 =	sadd.s32 s24, s6;
	v18 =	vadd.f32 v20, v20;
	[tilespmem:s31+$0xD100] =	vst v10;
	v10 =	vld [tilespmem:s8+$0x5080];
	v13 =	vshll.u32 v19, $0x10;
	v14 =	vand.u32 $0xFFFF0000, v19  }
0x148: {  	s12 =	sadd.s32 $0x8, s22;
	s7 =	simm.s32 $0x280;
	v16 =	vld.idx.msk [tilespmem:v21+s5+$0x0], $0xffff;
	v19 =	vshll.u32 v22, $0x10;
	v20 =	vand.u32 $0xFFFF0000, v22;
	v15 =	vadd.f32 v14, v13  }
.LBB2_5:
0x149: {  	s13 =	sadd.s32 $0x10, s13;
	v21 =	vadd.f32 v5, v5;
	s20 =	sadd.s32 $0x80, s20;
	v5 =	vadd.f32 v20, v19;
	v22 =	vshrl.u32 v7, $0x14;
	v1 =	vld.idx.msk [tilespmem:v1+s5+$0x0], $0xffff  }
0x14a: {  	v23 =	vshll.u32 v17, $0x10;
	v17 =	vand.u32 $0xFFFF0000, v17;
	s21 =	sand.u32 $0x70, s13;
	s22 =	sand.u32 $0x3C00, s20;
	p0 =	slt.u32 s13, $0x7F0;
	vm0 =	vgt.f32 v12, v15  }
0x14b: {  	v12 =	vadd.f32 v17, v23;
	s21 =	sor.u32 s21, s22;
	vm1 =	vgt.f32 v18, v5;
	v13 =	vsel vm0, v14, v13;
	v14 =	vld [tilespmem:s30+$0x5300]  }
0x14c: {  	v5 =	vld [tilespmem:s21+$0x5000];
	v15 =	vsel vm1, v20, v19;
	[tilespmem:s30+$0xD200] =	vst v13;
	v13 =	vshll.u32 v6, $0x10;
	v6 =	vand.u32 $0xFFFF0000, v6  }
0x14d: {  	s26 =	sadd.s32 $0x1, s26;
	[tilespmem:s3+$0xD080] =	vst v15;
	v15 =	vshll.u32 v16, $0x10;
	v16 =	vand.u32 $0xFFFF0000, v16;
	v9 =	vld.idx.msk [tilespmem:v9+s5+$0x0], $0xffff;
	v18 =	vadd.f32 v6, v13  }
0x14e: {  	s22 =	sand.u32 $0x7, s26;
	vm0 =	vgt.f32 v21, v12;
	v12 =	vshrl.u32 v10, $0x14;
	v19 =	vld.idx.msk [tilespmem:v22+s5+$0x0], $0xffff;
	v20 =	vadd.f32 v16, v15  }
0x14f: {  	s22 =	sshll.u32 s22, $0x4;
	vm1 =	vgt.f32 v3, v18;
	v3 =	vshll.u32 v1, $0x10;
	v1 =	vand.u32 $0xFFFF0000, v1  }
0x150: {  	s22 =	sadd.s32 s22, s25;
	s25 =	smov.u32 s29;
	s29 =	smov.u32 s0;
	v18 =	vld [tilespmem:s3+$0x5180];
	v6 =	vsel vm1, v6, v13;
	v13 =	vadd.f32 v0, v0;
	v21 =	vadd.f32 v1, v3  }
0x151: {  	s0 =	smov.u32 s1;
	s1 =	smov.u32 s7;
	s22 =	sor.u32 $0x380, s22;
	v0 =	vsel vm0, v17, v23;
	vm0 =	vgt.f32 v11, v20;
	v22 =	vshrl.u32 v14, $0x14;
	v20 =	vld [tilespmem:s31+$0x5280];
	[tilespmem:s28+$0xD300] =	vst v6  }
0x152: {  	s7 =	smov.u32 s20;
	v6 =	vshrl.u32 v5, $0x14;
	v11 =	vsel vm0, v16, v15;
	s28 =	smov.u32 s30;
	s30 =	smov.u32 s31;
	[tilespmem:s8+$0xD000] =	vst v0;
	v0 =	vld [tilespmem:s22+$0x5000];
	vm0 =	vgt.f32 v13, v21  }
0x153: {  	s31 =	smov.u32 s3;
	v13 =	vld [tilespmem:s3+$0x5200];
	[tilespmem:s30+$0xD180] =	vst v11;
	v11 =	vshll.u32 v9, $0x10;
	v9 =	vand.u32 $0xFFFF0000, v9;
	v1 =	vsel vm0, v1, v3;
	s3 =	smov.u32 s8;
	s8 =	smov.u32 s21  }
0x154: {  	v15 =	vshll.u32 v19, $0x10;
	v16 =	vand.u32 $0xFFFF0000, v19;
	v19 =	vld.idx.msk [tilespmem:v8+s5+$0x0], $0xffff;
	v3 =	vadd.f32 v9, v11;
	[tilespmem:s14+$0xD000] =	vst v1;
	s14 =	smov.u32 s22  }
0x155: {  	v1 =	vadd.f32 v7, v7;
	v8 =	vadd.f32 v16, v15;
	v21 =	vld.idx.msk [tilespmem:v12+s5+$0x0], $0xffff;
	v23 =	vshrl.u32 v18, $0x14  }
0x156: {  	v7 =	vld [tilespmem:s3+$0x5100];
	vm0 =	vgt.f32 v2, v3;
	v3 =	vadd.f32 v14, v14  }
.Ltmp3:
0x157: {  	vm1 =	vgt.f32 v1, v8;
	v17 =	vld.idx.msk [tilespmem:v6+s5+$0x0], $0xffff;
	v6 =	vsel vm0, v9, v11;
	v1 =	vshrl.u32 v0, $0x14;
	(pc) =	sbr.rel @p0 .LBB2_5-.Ltmp3, $4  }
0x158: {  	v12 =	vadd.f32 v4, v4;
	v2 =	vadd.f32 v20, v20;
	v8 =	vsel vm1, v16, v15;
	[tilespmem:s28+$0xD280] =	vst v6  }
0x159: {  	v11 =	vadd.f32 v18, v18;
	v9 =	vshrl.u32 v20, $0x14;
	v4 =	vmovc v13;
	[tilespmem:s31+$0xD100] =	vst v8;
	v8 =	vshrl.u32 v13, $0x14;
	v6 =	vld.idx.msk [tilespmem:v22+s5+$0x0], $0xffff  }
0x15a: {  	v18 =	vadd.f32 v10, v10;
	v13 =	vshll.u32 v19, $0x10;
	v14 =	vand.u32 $0xFFFF0000, v19;
	v16 =	vld.idx.msk [tilespmem:v23+s5+$0x0], $0xffff  }
0x15b: {  	v19 =	vshll.u32 v21, $0x10;
	v20 =	vand.u32 $0xFFFF0000, v21;
	v15 =	vadd.f32 v14, v13;
	v10 =	vld [tilespmem:s8+$0x5080]  }
0x15c: {  	_ =	sdelay $0x2  }
0x15d: {  	v21 =	vshll.u32 v17, $0x10;
	v33 =	vand.u32 $0xFFFF0000, v17  }
0x15e: {  	v5 =	vadd.f32 v5, v5;
	v22 =	vadd.f32 v33, v21;
	v23 =	vshrl.u32 v10, $0x14;
	_ =	sdelay $0x1  }
0x15f: {  	vm0 =	vgt.f32 v5, v22  }
0x160: {  	v5 =	vsel vm0, v33, v21  }
0x161: {  	[tilespmem:s8+$0xD000] =	vst v5  }
0x162: {  	v5 =	vld.idx.msk [tilespmem:v23+s5+$0x0], $0xffff  }
0x163: {  	v34 =	vld [tilespmem:s8+$0x5100];
	_ =	sdelay $0x1  }
0x164: {  	v35 =	vadd.f32 v20, v19  }
0x165: {  	v36 =	vshrl.u32 v7, $0x14  }
0x166: {  	vm15 =	vgt.f32 v18, v35;
	v37 =	vshll.u32 v5, $0x10;
	v5 =	vand.u32 $0xFFFF0000, v5  }
0x167: {  	v38 =	vadd.f32 v10, v10;
	v40 =	vshrl.u32 v34, $0x14;
	v39 =	vadd.f32 v5, v37  }
0x168: {  	v41 =	vsel vm15, v20, v19  }
0x169: {  	[tilespmem:s3+$0xD080] =	vst v41;
	vm4 =	vgt.f32 v38, v39  }
0x16a: {  	v42 =	vld.idx.msk [tilespmem:v36+s5+$0x0], $0xffff;
	v5 =	vsel vm4, v5, v37  }
0x16b: {  	v43 =	vld [tilespmem:s3+$0x5180];
	[tilespmem:s8+$0xD080] =	vst v5  }
0x16c: {  	v5 =	vld.idx.msk [tilespmem:v40+s5+$0x0], $0xffff  }
0x16d: {  	v44 =	vld [tilespmem:s8+$0x5180];
	_ =	sdelay $0x1  }
0x16e: {  	v45 =	vshll.u32 v42, $0x10;
	v10 =	vand.u32 $0xFFFF0000, v42  }
0x16f: {  	v46 =	vadd.f32 v7, v7;
	v48 =	vshrl.u32 v43, $0x14;
	v47 =	vadd.f32 v10, v45  }
0x170: {  	v17 =	vadd.f32 v34, v34;
	v23 =	vshll.u32 v5, $0x10;
	v5 =	vand.u32 $0xFFFF0000, v5  }
0x171: {  	v25 =	vshrl.u32 v44, $0x14;
	vm5 =	vgt.f32 v46, v47;
	v24 =	vadd.f32 v5, v23  }
0x172: {  	v7 =	vsel vm5, v10, v45  }
0x173: {  	[tilespmem:s3+$0xD100] =	vst v7;
	vm6 =	vgt.f32 v17, v24  }
0x174: {  	v51 =	vshll.u32 v16, $0x10;
	v52 =	vand.u32 $0xFFFF0000, v16;
	v53 =	vld.idx.msk [tilespmem:v48+s5+$0x0], $0xffff;
	v5 =	vsel vm6, v5, v23  }
0x175: {  	v49 =	vld [tilespmem:s3+$0x5200];
	v54 =	vadd.f32 v52, v51;
	[tilespmem:s8+$0xD100] =	vst v5  }
0x176: {  	v55 =	vld.idx.msk [tilespmem:v25+s5+$0x0], $0xffff  }
0x177: {  	v50 =	vld [tilespmem:s8+$0x5200];
	vm7 =	vgt.f32 v11, v54  }
0x178: {  	v11 =	vsel vm7, v52, v51  }
0x179: {  	[tilespmem:s31+$0xD180] =	vst v11;
	v59 =	vshll.u32 v53, $0x10;
	v60 =	vand.u32 $0xFFFF0000, v53  }
0x17a: {  	v57 =	vadd.f32 v43, v43;
	v58 =	vshrl.u32 v49, $0x14;
	v8 =	vld.idx.msk [tilespmem:v8+s5+$0x0], $0xffff;
	v20 =	vadd.f32 v60, v59  }
0x17b: {  	v56 =	vld [tilespmem:s31+$0x5280];
	v19 =	vadd.f32 v44, v44;
	v61 =	vshll.u32 v55, $0x10;
	v21 =	vand.u32 $0xFFFF0000, v55  }
0x17c: {  	v62 =	vshrl.u32 v50, $0x14;
	vm8 =	vgt.f32 v57, v20;
	v63 =	vadd.f32 v21, v61  }
0x17d: {  	v16 =	vsel vm8, v60, v59  }
0x17e: {  	v27 =	vld [tilespmem:s3+$0x5280];
	[tilespmem:s3+$0xD180] =	vst v16;
	vm9 =	vgt.f32 v19, v63  }
0x17f: {  	v30 =	vshll.u32 v8, $0x10;
	v8 =	vand.u32 $0xFFFF0000, v8;
	v11 =	vld.idx.msk [tilespmem:v58+s5+$0x0], $0xffff;
	v29 =	vsel vm9, v21, v61  }
0x180: {  	v28 =	vld [tilespmem:s8+$0x5280];
	v4 =	vadd.f32 v4, v4;
	v31 =	vshrl.u32 v56, $0x14;
	v32 =	vadd.f32 v8, v30;
	[tilespmem:s8+$0xD180] =	vst v29  }
0x181: {  	v33 =	vld.idx.msk [tilespmem:v62+s5+$0x0], $0xffff  }
0x182: {  	vm11 =	vgt.f32 v4, v32  }
0x183: {  	vm10 =	vgt.f32 v12, v15;
	v4 =	vsel vm11, v8, v30  }
0x184: {  	v12 =	vsel vm10, v14, v13;
	[tilespmem:s31+$0xD200] =	vst v4;
	v37 =	vshll.u32 v11, $0x10;
	v11 =	vand.u32 $0xFFFF0000, v11  }
0x185: {  	v36 =	vshrl.u32 v27, $0x14;
	v10 =	vadd.f32 v49, v49;
	v38 =	vld.idx.msk [tilespmem:v31+s5+$0x0], $0xffff;
	v39 =	vadd.f32 v11, v37  }
0x186: {  	v35 =	vld [tilespmem:s31+$0x5300];
	[tilespmem:s30+$0xD200] =	vst v12;
	v42 =	vshrl.u32 v28, $0x14;
	v40 =	vshll.u32 v33, $0x10;
	v41 =	vand.u32 $0xFFFF0000, v33  }
0x187: {  	v9 =	vld.idx.msk [tilespmem:v9+s5+$0x0], $0xffff;
	v7 =	vadd.f32 v50, v50;
	vm12 =	vgt.f32 v10, v39;
	v21 =	vadd.f32 v41, v40  }
0x188: {  	v10 =	vsel vm12, v11, v37  }
0x189: {  	v34 =	vld [tilespmem:s30+$0x5300];
	[tilespmem:s3+$0xD200] =	vst v10;
	vm13 =	vgt.f32 v7, v21  }
0x18a: {  	v48 =	vshll.u32 v38, $0x10;
	v14 =	vand.u32 $0xFFFF0000, v38;
	v4 =	vld.idx.msk [tilespmem:v36+s5+$0x0], $0xffff;
	v45 =	vsel vm13, v41, v40  }
0x18b: {  	v43 =	vld [tilespmem:s3+$0x5300];
	v52 =	vshrl.u32 v35, $0x14;
	v50 =	vadd.f32 v14, v48;
	v5 =	vadd.f32 v56, v56;
	[tilespmem:s8+$0xD200] =	vst v45  }
0x18c: {  	v44 =	vshll.u32 v9, $0x10;
	v9 =	vand.u32 $0xFFFF0000, v9;
	v20 =	vld.idx.msk [tilespmem:v42+s5+$0x0], $0xffff  }
0x18d: {  	v46 =	vld [tilespmem:s8+$0x5300];
	v47 =	vadd.f32 v9, v44;
	vm1 =	vgt.f32 v5, v50  }
0x18e: {  	v54 =	vadd.f32 v27, v27;
	v49 =	vshrl.u32 v34, $0x14;
	v5 =	vsel vm1, v14, v48  }
0x18f: {  	vm14 =	vgt.f32 v2, v47;
	[tilespmem:s31+$0xD280] =	vst v5;
	v56 =	vshll.u32 v4, $0x10;
	v4 =	vand.u32 $0xFFFF0000, v4  }
0x190: {  	v2 =	vsel vm14, v9, v44;
	v60 =	vld.idx.msk [tilespmem:v52+s5+$0x0], $0xffff;
	v55 =	vshrl.u32 v43, $0x14;
	v57 =	vadd.f32 v4, v56  }
0x191: {  	v16 =	vadd.f32 v28, v28;
	v58 =	vshll.u32 v20, $0x10;
	v59 =	vand.u32 $0xFFFF0000, v20  }
0x192: {  	v61 =	vshrl.u32 v46, $0x14;
	vm15 =	vgt.f32 v54, v57;
	v62 =	vadd.f32 v59, v58  }
0x193: {  	v51 =	vshll.u32 v6, $0x10;
	[tilespmem:s30+$0xD280] =	vst v2;
	v4 =	vsel vm15, v4, v56  }
0x194: {  	s13 =	sadd.s32 $0x1, s26;
	v8 =	vadd.f32 v35, v35;
	v53 =	vand.u32 $0xFFFF0000, v6;
	v10 =	vld.idx.msk [tilespmem:v49+s5+$0x0], $0xffff;
	[tilespmem:s3+$0xD280] =	vst v4;
	vm4 =	vgt.f32 v16, v62  }
0x195: {  	s21 =	sadd.s32 $0x1, s13;
	v25 =	vshll.u32 v60, $0x10;
	v26 =	vand.u32 $0xFFFF0000, v60;
	v2 =	vld.idx.msk [tilespmem:v55+s5+$0x0], $0xffff;
	v19 =	vsel vm4, v59, v58  }
0x196: {  	s26 =	sand.u32 $0x7, s21;
	s21 =	sadd.s32 $0x1, s21;
	v63 =	vadd.f32 v53, v51;
	v28 =	vadd.f32 v26, v25;
	[tilespmem:s8+$0xD280] =	vst v19  }
0x197: {  	s22 =	sand.u32 $0x7, s21;
	v27 =	vld.idx.msk [tilespmem:v61+s5+$0x0], $0xffff  }
0x198: {  	s20 =	sand.u32 $0x7, s13;
	s22 =	sshll.u32 s22, $0x4;
	v30 =	vadd.f32 v43, v43;
	vm5 =	vgt.f32 v3, v63;
	vm7 =	vgt.f32 v8, v28  }
0x199: {  	s20 =	sshll.u32 s20, $0x4;
	s0 =	sadd.s32 s22, s0;
	v22 =	vshll.u32 v10, $0x10;
	v23 =	vand.u32 $0xFFFF0000, v10;
	v9 =	vsel vm7, v26, v25  }
0x19a: {  	s25 =	sadd.s32 s20, s25;
	s0 =	sor.u32 $0x380, s0;
	v6 =	vsel vm5, v53, v51;
	[tilespmem:s31+$0xD300] =	vst v9;
	v31 =	vshll.u32 v2, $0x10;
	v2 =	vand.u32 $0xFFFF0000, v2  }
0x19b: {  	s20 =	sshll.u32 s26, $0x4;
	s21 =	sadd.s32 $0x1, s21;
	s13 =	sor.u32 $0x380, s25;
	v24 =	vadd.f32 v23, v22;
	[tilespmem:s28+$0xD300] =	vst v6;
	v39 =	vld [tilespmem:s0+$0x5000];
	v33 =	vadd.f32 v2, v31  }
0x19c: {  	s20 =	sadd.s32 s20, s29;
	s29 =	sand.u32 $0x7, s21;
	v29 =	vld [tilespmem:s13+$0x5000];
	v20 =	vadd.f32 v34, v34;
	v34 =	vshll.u32 v27, $0x10;
	v35 =	vand.u32 $0xFFFF0000, v27  }
0x19d: {  	s21 =	sadd.s32 $0x1, s21;
	s22 =	sshll.u32 s29, $0x4;
	v36 =	vadd.f32 v46, v46;
	vm8 =	vgt.f32 v30, v33;
	v37 =	vadd.f32 v35, v34  }
0x19e: {  	s21 =	sand.u32 $0x7, s21;
	s1 =	sadd.s32 s22, s1;
	v2 =	vsel vm8, v2, v31;
	vm6 =	vgt.f32 v20, v24  }
0x19f: {  	s21 =	sshll.u32 s21, $0x4;
	s1 =	sor.u32 $0x380, s1;
	[tilespmem:s3+$0xD300] =	vst v2;
	v4 =	vsel vm6, v23, v22;
	vm9 =	vgt.f32 v36, v37  }
0x1a0: {  	s20 =	sor.u32 $0x380, s20;
	v43 =	vshrl.u32 v39, $0x14;
	v42 =	vld [tilespmem:s1+$0x5000];
	[tilespmem:s30+$0xD300] =	vst v4;
	s30 =	sadd.s32 s21, s7;
	v40 =	vsel vm9, v35, v34  }
0x1a1: {  	v38 =	vshrl.u32 v29, $0x14;
	v32 =	vld [tilespmem:s20+$0x5000];
	s3 =	sor.u32 $0x380, s30;
	[tilespmem:s8+$0xD300] =	vst v40  }
0x1a2: {  	v2 =	vld [tilespmem:s3+$0x5000]  }
0x1a3: {  	v1 =	vld.idx.msk [tilespmem:v1+s5+$0x0], $0xffff;
	_ =	sdelay $0x1  }
0x1a4: {  	v9 =	vld.idx.msk [tilespmem:v43+s5+$0x0], $0xffff;
	v44 =	vshrl.u32 v42, $0x14  }
0x1a5: {  	v4 =	vld.idx.msk [tilespmem:v38+s5+$0x0], $0xffff;
	v41 =	vshrl.u32 v32, $0x14  }
0x1a6: {  	v45 =	vshrl.u32 v2, $0x14  }
0x1a7: {  	v46 =	vshll.u32 v1, $0x10;
	v1 =	vand.u32 $0xFFFF0000, v1  }
0x1a8: {  	v0 =	vadd.f32 v0, v0;
	v47 =	vadd.f32 v1, v46  }
0x1a9: {  	v55 =	vadd.f32 v39, v39;
	v53 =	vshll.u32 v9, $0x10;
	v54 =	vand.u32 $0xFFFF0000, v9;
	v10 =	vld.idx.msk [tilespmem:v44+s5+$0x0], $0xffff  }
0x1aa: {  	v56 =	vadd.f32 v54, v53;
	v48 =	vshll.u32 v4, $0x10;
	v4 =	vand.u32 $0xFFFF0000, v4;
	v5 =	vld.idx.msk [tilespmem:v41+s5+$0x0], $0xffff  }
0x1ab: {  	vm10 =	vgt.f32 v0, v47;
	v3 =	vadd.f32 v29, v29;
	v49 =	vadd.f32 v4, v48;
	v11 =	vld.idx.msk [tilespmem:v45+s5+$0x0], $0xffff  }
0x1ac: {  	v1 =	vsel vm10, v1, v46;
	vm13 =	vgt.f32 v55, v56;
	v8 =	vadd.f32 v42, v42  }
0x1ad: {  	v61 =	vsel vm13, v54, v53;
	v51 =	vadd.f32 v32, v32;
	vm11 =	vgt.f32 v3, v49  }
0x1ae: {  	v4 =	vsel vm11, v4, v48;
	v57 =	vshll.u32 v10, $0x10;
	v10 =	vand.u32 $0xFFFF0000, v10  }
0x1af: {  	v58 =	vadd.f32 v10, v57;
	v50 =	vshll.u32 v5, $0x10;
	v5 =	vand.u32 $0xFFFF0000, v5  }
0x1b0: {  	[tilespmem:s14+$0xD000] =	vst v1;
	v52 =	vadd.f32 v5, v50;
	v59 =	vshll.u32 v11, $0x10;
	v11 =	vand.u32 $0xFFFF0000, v11  }
0x1b1: {  	[tilespmem:s0+$0xD000] =	vst v61;
	vm14 =	vgt.f32 v8, v58;
	v2 =	vadd.f32 v2, v2;
	v60 =	vadd.f32 v11, v59  }
.Ltmp4:
0x1b2: {  	[tilespmem:s13+$0xD000] =	vst v4;
	v62 =	vsel vm14, v10, v57;
	vm12 =	vgt.f32 v51, v52;
	(pc) =	sbr.rel @p1 .LBB2_8-.Ltmp4, $4  }
0x1b3: {  	[tilespmem:s1+$0xD000] =	vst v62;
	v0 =	vsel vm12, v5, v50;
	vm15 =	vgt.f32 v2, v60  }
0x1b4: {  	s31 =	sshll.u32 s12, $0x8;
	[tilespmem:s20+$0xD000] =	vst v0;
	v63 =	vsel vm15, v11, v59  }
0x1b5: {  	s0 =	sadd.s32 s4, s31;
	[tilespmem:s3+$0xD000] =	vst v63  }
0x1b6: {  	[hbm4b:s0+s5] =	stream.linear.scatter [tilespmem:s19], [sflag:$0x4], $0x4000, $0x38;
	[tilespmem:$0x11000] =	vst v63  }
.Ltmp5:
0x1b7: {  	(pc) =	sbr.rel .LBB2_2-.Ltmp5, $4  }
0x1b8: {  	s0 =	sadd.s32 s24, s11  }
0x1b9: {  	s0 =	sshll.u32 s0, $0x8  }
0x1ba: {  	s23 =	sadd.s32 $0x1, s23;
	s0 =	sadd.s32 s2, s0  }
0x1bb: {  	[tilespmem:s15], [sflag:$0x2] =	stream.linear.gather [hbm4b:s0+s5], $0x4000, $0x38;
	[tilespmem:$0x11000] =	vst v63  }
.LBB2_9:
0x1bc: {  	_ =	sfence.sel $0x180000  }
0x1bd: {  	[bflag:$0x0] =	sbarrier.arrive $0xFFFF  }
0x1be: {  	_ =	strace $0x90000047  }
0x1bf: {  	s0 =	stileid.u32;
	[bflag:$0x2] =	sbarrier.arrive $0xFFFF  }
0x1c0: {  	p0 =	sne.s32 s0, $0x0;
	s0 =	rddreg [dreg:$0x3]  }
0x1c1: {  	s0 =	sadd.s32 @!p0 $0x100000, s0  }
0x1c2: {  	[sflag:s0] =	ssyncadd.tile.s32 @!p0 $0x1;
	_ =	shalt  }
.Lfunc_end2:
_tile_overlayer_lowered:
.L_overlay_start_2:
0x1c3: {  	(tag) =	ssettag $0x2  }
0x1c4: {  	s0 =	rddreg [dreg:$0x0];
	s2 =	stileid.u32  }
0x1c5: {  	s1 =	rddreg [dreg:$0x1];
	p0 =	sne.s32 s2, $0x0  }
0x1c6: {  	s3 =	rddreg [dreg:$0x2];
	[bflag:$0x3] =	sbarrier.arrive $0xFFFF;
	s2 =	simm.s32 @!p0 $0x1C05  }
0x1c7: {  	[timem:s3], [sflag:s2] =	dma.local @!p0 [hbm:s0], s1  }
0x1c8: {  	s0 =	simm.s32 @!p0 $0x5  }
0x1c9: {  	_ =	swait.ge @!p0 [sflag:s0], s1  }
0x1ca: {  	s1 =	ssub.s32 @!p0 $0x0, s1;
	[sflag:s0] =	ssyncset.done @!p0 $0x0  }
0x1cb: {  	[sflag:s0] =	ssyncadd.s32 @!p0 s1  }
0x1cc: {  	[bflag:$0x3] =	sbarrier.arrive $0xFFFF  }
0x1cd: {  	_ =	shalt  }

</sc_bundles>
